<compile_context>
chip_gen: v7x
topology: tpu7x:2x2x1
jax: 0.10.2.dev20260603
libtpu: 0.0.44.dev20260713+nightly
codegen_flags: <defaults>
</compile_context>

<pallas_src>
import functools

import jax
import jax.numpy as jnp
from jax import lax
from jax.experimental import pallas as pl
from jax.experimental.pallas import tpu as pltpu
from jax.experimental.pallas import tpu_sc as plsc

BATCH = 4096
HIST = 200
D = 64
NC = 2
NS = 16
NW = NC * NS
RB = BATCH // NW
G = 2
NG = RB // G
CHUNKS = ((0, 128), (128, 72))

_mesh = plsc.VectorSubcoreMesh(core_axis_name="c", subcore_axis_name="s")


@functools.partial(
    pl.kernel,
    mesh=_mesh,
    out_type=jax.ShapeDtypeStruct((BATCH, HIST, D), jnp.float32),
    scratch_types=[
        pltpu.VMEM((RB, HIST), jnp.int32),
        pltpu.VMEM((2, G, HIST, D), jnp.float32),
        pltpu.SemaphoreType.DMA,
        pltpu.SemaphoreType.DMA,
        pltpu.SemaphoreType.DMA,
        pltpu.SemaphoreType.DMA,
    ],
    compiler_params=pltpu.CompilerParams(use_tc_tiling_on_sc=False),
)
def _emb_lookup(idx_hbm, table_hbm, out_hbm, idx_v, rows_v, gsem0, gsem1,
                wsem0, wsem1):
    cid = lax.axis_index("c")
    sid = lax.axis_index("s")
    wid = sid * NC + cid
    row0 = wid * RB
    pltpu.sync_copy(idx_hbm.at[pl.ds(row0, RB)], idx_v)

    def fire_gathers(g, b, sem):
        for i in range(G):
            for off, n in CHUNKS:
                pltpu.async_copy(
                    table_hbm.at[idx_v.at[g * G + i, pl.ds(off, n)]],
                    rows_v.at[b, i, pl.ds(off, n)],
                    sem,
                )

    def drain_gathers(b, sem):
        for i in range(G):
            for off, n in CHUNKS:
                pltpu.make_async_copy(
                    table_hbm.at[idx_v.at[0, pl.ds(0, n)]],
                    rows_v.at[b, i, pl.ds(off, n)],
                    sem,
                ).wait()

    def wait_write(b, sem):
        pltpu.make_async_copy(
            rows_v.at[b], out_hbm.at[pl.ds(0, G)], sem
        ).wait()

    fire_gathers(0, 0, gsem0)

    def pair(p, _):
        @pl.when(p >= 1)
        def _():
            wait_write(1, wsem1)
        fire_gathers(2 * p + 1, 1, gsem1)
        drain_gathers(0, gsem0)
        pltpu.async_copy(
            rows_v.at[0], out_hbm.at[pl.ds(row0 + 2 * p * G, G)], wsem0
        )

        @pl.when(p < NG // 2 - 1)
        def _():
            wait_write(0, wsem0)
            fire_gathers(2 * p + 2, 0, gsem0)
        drain_gathers(1, gsem1)
        pltpu.async_copy(
            rows_v.at[1], out_hbm.at[pl.ds(row0 + (2 * p + 1) * G, G)], wsem1
        )
        return 0

    lax.fori_loop(0, NG // 2, pair, 0)
    wait_write(0, wsem0)
    wait_write(1, wsem1)


def kernel(items, table):
    return _emb_lookup(items.astype(jnp.int32), table)

# --- scband reference (transcript-rebuilt; emitter-appended) ---
"""Pipeline reference for scband-item-embedding-42520176230666 (READ-ONLY COPY).

The authoritative reference and input builder live on the scoring server;
editing this copy changes nothing except your own understanding.
"""

import jax, jax.numpy as jnp
import numpy as np

NUM_ITEMS = 1000000
EMBED_DIM = 64
BATCH = 4096
HIST_LEN = 200


def setup_inputs(seed: int = 0) -> dict:
    key = jax.random.key(seed)
    k_idx, k_tab = jax.random.split(key)
    items = jax.random.randint(k_idx, (BATCH, HIST_LEN), 0, NUM_ITEMS, dtype=jnp.int64 if jax.config.jax_enable_x64 else jnp.int32)
    table = jax.random.normal(k_tab, (NUM_ITEMS, EMBED_DIM), dtype=jnp.float32) * 0.02
    return {"items": items, "table": table}


def reference(items, table):
    # Keras Embedding(mask_zero=True) forward: plain gather; mask is metadata only.
    items_embedded = jnp.take(table, items, axis=0)
    return items_embedded

if __name__ == "__main__":
    import jax
    _d = setup_inputs()
    print(jax.jit(kernel)(*tuple(_d.values())))

</pallas_src>

<mosaic_0001>
#map = affine_map<(d0, d1) -> (0, 0)>
#map1 = affine_map<(d0, d1) -> (0, 0, 0)>
module attributes {stable_mosaic.version = 14 : i64} {
  func.func @_emb_lookup(%arg0: i32, %arg1: i32, %arg2: memref<4096x200xi32, #tpu.memory_space<hbm>>, %arg3: memref<1000000x64xf32, #tpu.memory_space<hbm>>, %arg4: memref<4096x200x64xf32, #tpu.memory_space<hbm>>, %arg5: memref<128x200xi32, #tpu.memory_space<vmem>>, %arg6: memref<2x2x200x64xf32, #tpu.memory_space<vmem>>, %arg7: memref<!tpu.dma_semaphore, #tpu.memory_space<semaphore_mem>>, %arg8: memref<!tpu.dma_semaphore, #tpu.memory_space<semaphore_mem>>, %arg9: memref<!tpu.dma_semaphore, #tpu.memory_space<semaphore_mem>>, %arg10: memref<!tpu.dma_semaphore, #tpu.memory_space<semaphore_mem>>) attributes {dimension_semantics = [#tpu.dimension_semantics<core_parallel>, #tpu.dimension_semantics<subcore_parallel>], iteration_bounds = array<i64: 2, 16>, scalar_prefetch = 0 : i64, scratch_operands = 6 : i64, tpu.core_type = #tpu.core_type<sc_vector_subcore>, window_params = [{transform_indices = #map}, {transform_indices = #map}, {transform_indices = #map1}]} {
    %mul3A = arith.constant 2 : i32
    %mul3A_0 = arith.muli %arg1, %mul3A : i32
    %add3A = arith.addi %mul3A_0, %arg0 : i32
    %mul3A_1 = arith.constant 128 : i32
    %mul3A_2 = arith.muli %add3A, %mul3A_1 : i32
    "tpu.region"() ({
      %run_scoped3A = tpu.sem_alloc : memref<!tpu.dma_semaphore, #tpu.memory_space<semaphore_mem>>
      %dma_start3A_97 = arith.constant 0 : i32
      %dma_start3A_98 = tpu.memref_slice %arg2[%mul3A_2, %dma_start3A_97] : memref<4096x200xi32, #tpu.memory_space<hbm>> -> memref<128x200xi32, #tpu.memory_space<hbm>>
      %dma_start3A_99 = arith.constant 0 : i32
      %dma_start3A_100 = tpu.memref_slice %arg2[%mul3A_2, %dma_start3A_99] : memref<4096x200xi32, #tpu.memory_space<hbm>> -> memref<128x200xi32, #tpu.memory_space<hbm>>
      tpu.enqueue_dma source(%dma_start3A_100 : memref<128x200xi32, #tpu.memory_space<hbm>>) target(%arg5 : memref<128x200xi32, #tpu.memory_space<vmem>>) target_semaphore(%run_scoped3A : memref<!tpu.dma_semaphore, #tpu.memory_space<semaphore_mem>>)
      %dma_wait3A_101 = arith.constant 0 : i32
      %dma_wait3A_102 = tpu.memref_slice %arg2[%mul3A_2, %dma_wait3A_101] : memref<4096x200xi32, #tpu.memory_space<hbm>> -> memref<128x200xi32, #tpu.memory_space<hbm>>
      %dma_wait3A_103 = arith.constant 0 : i32
      %dma_wait3A_104 = tpu.memref_slice %arg2[%mul3A_2, %dma_wait3A_103] : memref<4096x200xi32, #tpu.memory_space<hbm>> -> memref<128x200xi32, #tpu.memory_space<hbm>>
      tpu.wait_dma2 semaphore(%run_scoped3A : memref<!tpu.dma_semaphore, #tpu.memory_space<semaphore_mem>>) src(%dma_wait3A_104 : memref<128x200xi32, #tpu.memory_space<hbm>>) dst(%arg5 : memref<128x200xi32, #tpu.memory_space<vmem>>)
      tpu.yield
    }) : () -> ()
    %dma_start3A = arith.constant 0 : i32
    %dma_start3A_3 = arith.constant 0 : i32
    %dma_start3A_4 = arith.constant 0 : i32
    %dma_start3A_5 = arith.constant 0 : i32
    %dma_start3A_6 = arith.constant 0 : i32
    %dma_start3A_7 = tpu.memref_slice %arg6[%dma_start3A_3, %dma_start3A_4, %dma_start3A_5, %dma_start3A_6] : memref<2x2x200x64xf32, #tpu.memory_space<vmem>> -> memref<1x1x128x64xf32, #tpu.memory_space<vmem>>
    %dma_start3A_8 = tpu.memref_squeeze %dma_start3A_7 : memref<1x1x128x64xf32, #tpu.memory_space<vmem>> -> memref<128x64xf32, #tpu.memory_space<vmem>>
    %dma_start3A_9 = arith.constant 0 : i32
    %dma_start3A_10 = tpu.memref_slice %arg5[%dma_start3A, %dma_start3A_9] : memref<128x200xi32, #tpu.memory_space<vmem>> -> memref<1x128xi32, #tpu.memory_space<vmem>>
    %dma_start3A_11 = tpu.memref_squeeze %dma_start3A_10 : memref<1x128xi32, #tpu.memory_space<vmem>> -> memref<128xi32, #tpu.memory_space<vmem>>
    %dma_start3A_12 = arith.constant 0 : i32
    %dma_start3A_13 = arith.constant 0 : i32
    %dma_start3A_14 = tpu.memref_slice %arg3[%dma_start3A_12, %dma_start3A_13] : memref<1000000x64xf32, #tpu.memory_space<hbm>> -> memref<1000000x64xf32, #tpu.memory_space<hbm>>
    tpu.enqueue_indirect_dma source(%dma_start3A_14 : memref<1000000x64xf32, #tpu.memory_space<hbm>>) target(%dma_start3A_8 : memref<128x64xf32, #tpu.memory_space<vmem>>) offsets(%dma_start3A_11 : memref<128xi32, #tpu.memory_space<vmem>>) semaphore(%arg7 : memref<!tpu.dma_semaphore, #tpu.memory_space<semaphore_mem>>)
    %dma_start3A_15 = arith.constant 0 : i32
    %dma_start3A_16 = arith.constant 0 : i32
    %dma_start3A_17 = arith.constant 0 : i32
    %dma_start3A_18 = arith.constant 128 : i32
    %dma_start3A_19 = arith.constant 0 : i32
    %dma_start3A_20 = tpu.memref_slice %arg6[%dma_start3A_16, %dma_start3A_17, %dma_start3A_18, %dma_start3A_19] : memref<2x2x200x64xf32, #tpu.memory_space<vmem>> -> memref<1x1x72x64xf32, #tpu.memory_space<vmem>>
    %dma_start3A_21 = tpu.memref_squeeze %dma_start3A_20 : memref<1x1x72x64xf32, #tpu.memory_space<vmem>> -> memref<72x64xf32, #tpu.memory_space<vmem>>
    %dma_start3A_22 = arith.constant 128 : i32
    %dma_start3A_23 = tpu.memref_slice %arg5[%dma_start3A_15, %dma_start3A_22] : memref<128x200xi32, #tpu.memory_space<vmem>> -> memref<1x72xi32, #tpu.memory_space<vmem>>
    %dma_start3A_24 = tpu.memref_squeeze %dma_start3A_23 : memref<1x72xi32, #tpu.memory_space<vmem>> -> memref<72xi32, #tpu.memory_space<vmem>>
    %dma_start3A_25 = arith.constant 0 : i32
    %dma_start3A_26 = arith.constant 0 : i32
    %dma_start3A_27 = tpu.memref_slice %arg3[%dma_start3A_25, %dma_start3A_26] : memref<1000000x64xf32, #tpu.memory_space<hbm>> -> memref<1000000x64xf32, #tpu.memory_space<hbm>>
    tpu.enqueue_indirect_dma source(%dma_start3A_27 : memref<1000000x64xf32, #tpu.memory_space<hbm>>) target(%dma_start3A_21 : memref<72x64xf32, #tpu.memory_space<vmem>>) offsets(%dma_start3A_24 : memref<72xi32, #tpu.memory_space<vmem>>) semaphore(%arg7 : memref<!tpu.dma_semaphore, #tpu.memory_space<semaphore_mem>>)
    %dma_start3A_28 = arith.constant 1 : i32
    %dma_start3A_29 = arith.constant 0 : i32
    %dma_start3A_30 = arith.constant 1 : i32
    %dma_start3A_31 = arith.constant 0 : i32
    %dma_start3A_32 = arith.constant 0 : i32
    %dma_start3A_33 = tpu.memref_slice %arg6[%dma_start3A_29, %dma_start3A_30, %dma_start3A_31, %dma_start3A_32] : memref<2x2x200x64xf32, #tpu.memory_space<vmem>> -> memref<1x1x128x64xf32, #tpu.memory_space<vmem>>
    %dma_start3A_34 = tpu.memref_squeeze %dma_start3A_33 : memref<1x1x128x64xf32, #tpu.memory_space<vmem>> -> memref<128x64xf32, #tpu.memory_space<vmem>>
    %dma_start3A_35 = arith.constant 0 : i32
    %dma_start3A_36 = tpu.memref_slice %arg5[%dma_start3A_28, %dma_start3A_35] : memref<128x200xi32, #tpu.memory_space<vmem>> -> memref<1x128xi32, #tpu.memory_space<vmem>>
    %dma_start3A_37 = tpu.memref_squeeze %dma_start3A_36 : memref<1x128xi32, #tpu.memory_space<vmem>> -> memref<128xi32, #tpu.memory_space<vmem>>
    %dma_start3A_38 = arith.constant 0 : i32
    %dma_start3A_39 = arith.constant 0 : i32
    %dma_start3A_40 = tpu.memref_slice %arg3[%dma_start3A_38, %dma_start3A_39] : memref<1000000x64xf32, #tpu.memory_space<hbm>> -> memref<1000000x64xf32, #tpu.memory_space<hbm>>
    tpu.enqueue_indirect_dma source(%dma_start3A_40 : memref<1000000x64xf32, #tpu.memory_space<hbm>>) target(%dma_start3A_34 : memref<128x64xf32, #tpu.memory_space<vmem>>) offsets(%dma_start3A_37 : memref<128xi32, #tpu.memory_space<vmem>>) semaphore(%arg7 : memref<!tpu.dma_semaphore, #tpu.memory_space<semaphore_mem>>)
    %dma_start3A_41 = arith.constant 1 : i32
    %dma_start3A_42 = arith.constant 0 : i32
    %dma_start3A_43 = arith.constant 1 : i32
    %dma_start3A_44 = arith.constant 128 : i32
    %dma_start3A_45 = arith.constant 0 : i32
    %dma_start3A_46 = tpu.memref_slice %arg6[%dma_start3A_42, %dma_start3A_43, %dma_start3A_44, %dma_start3A_45] : memref<2x2x200x64xf32, #tpu.memory_space<vmem>> -> memref<1x1x72x64xf32, #tpu.memory_space<vmem>>
    %dma_start3A_47 = tpu.memref_squeeze %dma_start3A_46 : memref<1x1x72x64xf32, #tpu.memory_space<vmem>> -> memref<72x64xf32, #tpu.memory_space<vmem>>
    %dma_start3A_48 = arith.constant 128 : i32
    %dma_start3A_49 = tpu.memref_slice %arg5[%dma_start3A_41, %dma_start3A_48] : memref<128x200xi32, #tpu.memory_space<vmem>> -> memref<1x72xi32, #tpu.memory_space<vmem>>
    %dma_start3A_50 = tpu.memref_squeeze %dma_start3A_49 : memref<1x72xi32, #tpu.memory_space<vmem>> -> memref<72xi32, #tpu.memory_space<vmem>>
    %dma_start3A_51 = arith.constant 0 : i32
    %dma_start3A_52 = arith.constant 0 : i32
    %dma_start3A_53 = tpu.memref_slice %arg3[%dma_start3A_51, %dma_start3A_52] : memref<1000000x64xf32, #tpu.memory_space<hbm>> -> memref<1000000x64xf32, #tpu.memory_space<hbm>>
    tpu.enqueue_indirect_dma source(%dma_start3A_53 : memref<1000000x64xf32, #tpu.memory_space<hbm>>) target(%dma_start3A_47 : memref<72x64xf32, #tpu.memory_space<vmem>>) offsets(%dma_start3A_50 : memref<72xi32, #tpu.memory_space<vmem>>) semaphore(%arg7 : memref<!tpu.dma_semaphore, #tpu.memory_space<semaphore_mem>>)
    %scan3A = arith.constant 0 : i32
    %scan3A_54 = arith.constant 0 : i32
    %scan3A_55 = arith.constant 32 : i32
    %scan3A_56 = arith.addi %scan3A_54, %scan3A_55 : i32
    %scan3A_57 = arith.constant 1 : i32
    %scan3A_58 = scf.for %scan3A_97 = %scan3A_54 to %scan3A_56 step %scan3A_57 iter_args(%scan3A_98 = %scan3A) -> (i32)  : i32 {
      %ge3A = arith.constant 1 : i32
      %ge3A_99 = arith.cmpi sge, %scan3A_97, %ge3A : i32
      %convert_element_type3A = arith.extui %ge3A_99 : i1 to i32
      %cond3A = arith.constant 0 : i32
      %cond3A_100 = arith.cmpi ne, %convert_element_type3A, %cond3A : i32
      scf.if %cond3A_100 {
        %dma_wait3A_324 = arith.constant 1 : i32
        %dma_wait3A_325 = arith.constant 0 : i32
        %dma_wait3A_326 = arith.constant 0 : i32
        %dma_wait3A_327 = arith.constant 0 : i32
        %dma_wait3A_328 = tpu.memref_slice %arg6[%dma_wait3A_324, %dma_wait3A_325, %dma_wait3A_326, %dma_wait3A_327] : memref<2x2x200x64xf32, #tpu.memory_space<vmem>> -> memref<1x2x200x64xf32, #tpu.memory_space<vmem>>
        %dma_wait3A_329 = tpu.memref_squeeze %dma_wait3A_328 : memref<1x2x200x64xf32, #tpu.memory_space<vmem>> -> memref<2x200x64xf32, #tpu.memory_space<vmem>>
        %dma_wait3A_330 = arith.constant 0 : i32
        %dma_wait3A_331 = arith.constant 0 : i32
        %dma_wait3A_332 = arith.constant 0 : i32
        %dma_wait3A_333 = tpu.memref_slice %arg4[%dma_wait3A_330, %dma_wait3A_331, %dma_wait3A_332] : memref<4096x200x64xf32, #tpu.memory_space<hbm>> -> memref<2x200x64xf32, #tpu.memory_space<hbm>>
        %dma_wait3A_334 = arith.constant 0 : i32
        %dma_wait3A_335 = arith.constant 0 : i32
        %dma_wait3A_336 = arith.constant 0 : i32
        %dma_wait3A_337 = tpu.memref_slice %arg4[%dma_wait3A_334, %dma_wait3A_335, %dma_wait3A_336] : memref<4096x200x64xf32, #tpu.memory_space<hbm>> -> memref<2x200x64xf32, #tpu.memory_space<hbm>>
        %dma_wait3A_338 = arith.constant 0 : i32
        %dma_wait3A_339 = arith.constant 0 : i32
        %dma_wait3A_340 = arith.constant 0 : i32
        %dma_wait3A_341 = tpu.memref_slice %arg6[%dma_wait3A_324, %dma_wait3A_338, %dma_wait3A_339, %dma_wait3A_340] : memref<2x2x200x64xf32, #tpu.memory_space<vmem>> -> memref<1x2x200x64xf32, #tpu.memory_space<vmem>>
        %dma_wait3A_342 = tpu.memref_squeeze %dma_wait3A_341 : memref<1x2x200x64xf32, #tpu.memory_space<vmem>> -> memref<2x200x64xf32, #tpu.memory_space<vmem>>
        tpu.wait_dma2 semaphore(%arg10 : memref<!tpu.dma_semaphore, #tpu.memory_space<semaphore_mem>>) src(%dma_wait3A_342 : memref<2x200x64xf32, #tpu.memory_space<vmem>>) dst(%dma_wait3A_337 : memref<2x200x64xf32, #tpu.memory_space<hbm>>)
      } else {
      }
      %mul3A_101 = arith.constant 2 : i32
      %mul3A_102 = arith.muli %mul3A_101, %scan3A_97 : i32
      %add3A_103 = arith.constant 1 : i32
      %add3A_104 = arith.addi %mul3A_102, %add3A_103 : i32
      %mul3A_105 = arith.constant 2 : i32
      %mul3A_106 = arith.muli %add3A_104, %mul3A_105 : i32
      %add3A_107 = arith.constant 0 : i32
      %add3A_108 = arith.addi %mul3A_106, %add3A_107 : i32
      %dma_start3A_109 = arith.constant 1 : i32
      %dma_start3A_110 = arith.constant 0 : i32
      %dma_start3A_111 = arith.constant 0 : i32
      %dma_start3A_112 = arith.constant 0 : i32
      %dma_start3A_113 = tpu.memref_slice %arg6[%dma_start3A_109, %dma_start3A_110, %dma_start3A_111, %dma_start3A_112] : memref<2x2x200x64xf32, #tpu.memory_space<vmem>> -> memref<1x1x128x64xf32, #tpu.memory_space<vmem>>
      %dma_start3A_114 = tpu.memref_squeeze %dma_start3A_113 : memref<1x1x128x64xf32, #tpu.memory_space<vmem>> -> memref<128x64xf32, #tpu.memory_space<vmem>>
      %dma_start3A_115 = arith.constant 0 : i32
      %dma_start3A_116 = tpu.memref_slice %arg5[%add3A_108, %dma_start3A_115] : memref<128x200xi32, #tpu.memory_space<vmem>> -> memref<1x128xi32, #tpu.memory_space<vmem>>
      %dma_start3A_117 = tpu.memref_squeeze %dma_start3A_116 : memref<1x128xi32, #tpu.memory_space<vmem>> -> memref<128xi32, #tpu.memory_space<vmem>>
      %dma_start3A_118 = arith.constant 0 : i32
      %dma_start3A_119 = arith.constant 0 : i32
      %dma_start3A_120 = tpu.memref_slice %arg3[%dma_start3A_118, %dma_start3A_119] : memref<1000000x64xf32, #tpu.memory_space<hbm>> -> memref<1000000x64xf32, #tpu.memory_space<hbm>>
      tpu.enqueue_indirect_dma source(%dma_start3A_120 : memref<1000000x64xf32, #tpu.memory_space<hbm>>) target(%dma_start3A_114 : memref<128x64xf32, #tpu.memory_space<vmem>>) offsets(%dma_start3A_117 : memref<128xi32, #tpu.memory_space<vmem>>) semaphore(%arg8 : memref<!tpu.dma_semaphore, #tpu.memory_space<semaphore_mem>>)
      %mul3A_121 = arith.constant 2 : i32
      %mul3A_122 = arith.muli %add3A_104, %mul3A_121 : i32
      %add3A_123 = arith.constant 0 : i32
      %add3A_124 = arith.addi %mul3A_122, %add3A_123 : i32
      %dma_start3A_125 = arith.constant 1 : i32
      %dma_start3A_126 = arith.constant 0 : i32
      %dma_start3A_127 = arith.constant 128 : i32
      %dma_start3A_128 = arith.constant 0 : i32
      %dma_start3A_129 = tpu.memref_slice %arg6[%dma_start3A_125, %dma_start3A_126, %dma_start3A_127, %dma_start3A_128] : memref<2x2x200x64xf32, #tpu.memory_space<vmem>> -> memref<1x1x72x64xf32, #tpu.memory_space<vmem>>
      %dma_start3A_130 = tpu.memref_squeeze %dma_start3A_129 : memref<1x1x72x64xf32, #tpu.memory_space<vmem>> -> memref<72x64xf32, #tpu.memory_space<vmem>>
      %dma_start3A_131 = arith.constant 128 : i32
      %dma_start3A_132 = tpu.memref_slice %arg5[%add3A_124, %dma_start3A_131] : memref<128x200xi32, #tpu.memory_space<vmem>> -> memref<1x72xi32, #tpu.memory_space<vmem>>
      %dma_start3A_133 = tpu.memref_squeeze %dma_start3A_132 : memref<1x72xi32, #tpu.memory_space<vmem>> -> memref<72xi32, #tpu.memory_space<vmem>>
      %dma_start3A_134 = arith.constant 0 : i32
      %dma_start3A_135 = arith.constant 0 : i32
      %dma_start3A_136 = tpu.memref_slice %arg3[%dma_start3A_134, %dma_start3A_135] : memref<1000000x64xf32, #tpu.memory_space<hbm>> -> memref<1000000x64xf32, #tpu.memory_space<hbm>>
      tpu.enqueue_indirect_dma source(%dma_start3A_136 : memref<1000000x64xf32, #tpu.memory_space<hbm>>) target(%dma_start3A_130 : memref<72x64xf32, #tpu.memory_space<vmem>>) offsets(%dma_start3A_133 : memref<72xi32, #tpu.memory_space<vmem>>) semaphore(%arg8 : memref<!tpu.dma_semaphore, #tpu.memory_space<semaphore_mem>>)
      %mul3A_137 = arith.constant 2 : i32
      %mul3A_138 = arith.muli %add3A_104, %mul3A_137 : i32
      %add3A_139 = arith.constant 1 : i32
      %add3A_140 = arith.addi %mul3A_138, %add3A_139 : i32
      %dma_start3A_141 = arith.constant 1 : i32
      %dma_start3A_142 = arith.constant 1 : i32
      %dma_start3A_143 = arith.constant 0 : i32
      %dma_start3A_144 = arith.constant 0 : i32
      %dma_start3A_145 = tpu.memref_slice %arg6[%dma_start3A_141, %dma_start3A_142, %dma_start3A_143, %dma_start3A_144] : memref<2x2x200x64xf32, #tpu.memory_space<vmem>> -> memref<1x1x128x64xf32, #tpu.memory_space<vmem>>
      %dma_start3A_146 = tpu.memref_squeeze %dma_start3A_145 : memref<1x1x128x64xf32, #tpu.memory_space<vmem>> -> memref<128x64xf32, #tpu.memory_space<vmem>>
      %dma_start3A_147 = arith.constant 0 : i32
      %dma_start3A_148 = tpu.memref_slice %arg5[%add3A_140, %dma_start3A_147] : memref<128x200xi32, #tpu.memory_space<vmem>> -> memref<1x128xi32, #tpu.memory_space<vmem>>
      %dma_start3A_149 = tpu.memref_squeeze %dma_start3A_148 : memref<1x128xi32, #tpu.memory_space<vmem>> -> memref<128xi32, #tpu.memory_space<vmem>>
      %dma_start3A_150 = arith.constant 0 : i32
      %dma_start3A_151 = arith.constant 0 : i32
      %dma_start3A_152 = tpu.memref_slice %arg3[%dma_start3A_150, %dma_start3A_151] : memref<1000000x64xf32, #tpu.memory_space<hbm>> -> memref<1000000x64xf32, #tpu.memory_space<hbm>>
      tpu.enqueue_indirect_dma source(%dma_start3A_152 : memref<1000000x64xf32, #tpu.memory_space<hbm>>) target(%dma_start3A_146 : memref<128x64xf32, #tpu.memory_space<vmem>>) offsets(%dma_start3A_149 : memref<128xi32, #tpu.memory_space<vmem>>) semaphore(%arg8 : memref<!tpu.dma_semaphore, #tpu.memory_space<semaphore_mem>>)
      %mul3A_153 = arith.constant 2 : i32
      %mul3A_154 = arith.muli %add3A_104, %mul3A_153 : i32
      %add3A_155 = arith.constant 1 : i32
      %add3A_156 = arith.addi %mul3A_154, %add3A_155 : i32
      %dma_start3A_157 = arith.constant 1 : i32
      %dma_start3A_158 = arith.constant 1 : i32
      %dma_start3A_159 = arith.constant 128 : i32
      %dma_start3A_160 = arith.constant 0 : i32
      %dma_start3A_161 = tpu.memref_slice %arg6[%dma_start3A_157, %dma_start3A_158, %dma_start3A_159, %dma_start3A_160] : memref<2x2x200x64xf32, #tpu.memory_space<vmem>> -> memref<1x1x72x64xf32, #tpu.memory_space<vmem>>
      %dma_start3A_162 = tpu.memref_squeeze %dma_start3A_161 : memref<1x1x72x64xf32, #tpu.memory_space<vmem>> -> memref<72x64xf32, #tpu.memory_space<vmem>>
      %dma_start3A_163 = arith.constant 128 : i32
      %dma_start3A_164 = tpu.memref_slice %arg5[%add3A_156, %dma_start3A_163] : memref<128x200xi32, #tpu.memory_space<vmem>> -> memref<1x72xi32, #tpu.memory_space<vmem>>
      %dma_start3A_165 = tpu.memref_squeeze %dma_start3A_164 : memref<1x72xi32, #tpu.memory_space<vmem>> -> memref<72xi32, #tpu.memory_space<vmem>>
      %dma_start3A_166 = arith.constant 0 : i32
      %dma_start3A_167 = arith.constant 0 : i32
      %dma_start3A_168 = tpu.memref_slice %arg3[%dma_start3A_166, %dma_start3A_167] : memref<1000000x64xf32, #tpu.memory_space<hbm>> -> memref<1000000x64xf32, #tpu.memory_space<hbm>>
      tpu.enqueue_indirect_dma source(%dma_start3A_168 : memref<1000000x64xf32, #tpu.memory_space<hbm>>) target(%dma_start3A_162 : memref<72x64xf32, #tpu.memory_space<vmem>>) offsets(%dma_start3A_165 : memref<72xi32, #tpu.memory_space<vmem>>) semaphore(%arg8 : memref<!tpu.dma_semaphore, #tpu.memory_space<semaphore_mem>>)
      %dma_wait3A_169 = arith.constant 0 : i32
      %dma_wait3A_170 = arith.constant 0 : i32
      %dma_wait3A_171 = arith.constant 0 : i32
      %dma_wait3A_172 = arith.constant 0 : i32
      %dma_wait3A_173 = arith.constant 0 : i32
      %dma_wait3A_174 = tpu.memref_slice %arg6[%dma_wait3A_170, %dma_wait3A_171, %dma_wait3A_172, %dma_wait3A_173] : memref<2x2x200x64xf32, #tpu.memory_space<vmem>> -> memref<1x1x128x64xf32, #tpu.memory_space<vmem>>
      %dma_wait3A_175 = tpu.memref_squeeze %dma_wait3A_174 : memref<1x1x128x64xf32, #tpu.memory_space<vmem>> -> memref<128x64xf32, #tpu.memory_space<vmem>>
      %dma_wait3A_176 = arith.constant 0 : i32
      %dma_wait3A_177 = tpu.memref_slice %arg5[%dma_wait3A_169, %dma_wait3A_176] : memref<128x200xi32, #tpu.memory_space<vmem>> -> memref<1x128xi32, #tpu.memory_space<vmem>>
      %dma_wait3A_178 = tpu.memref_squeeze %dma_wait3A_177 : memref<1x128xi32, #tpu.memory_space<vmem>> -> memref<128xi32, #tpu.memory_space<vmem>>
      %dma_wait3A_179 = arith.constant 0 : i32
      %dma_wait3A_180 = arith.constant 0 : i32
      %dma_wait3A_181 = tpu.memref_slice %arg3[%dma_wait3A_179, %dma_wait3A_180] : memref<1000000x64xf32, #tpu.memory_space<hbm>> -> memref<1000000x64xf32, #tpu.memory_space<hbm>>
      tpu.wait_indirect_dma semaphore(%arg7 : memref<!tpu.dma_semaphore, #tpu.memory_space<semaphore_mem>>) src(%dma_wait3A_181 : memref<1000000x64xf32, #tpu.memory_space<hbm>>) dst(%dma_wait3A_175 : memref<128x64xf32, #tpu.memory_space<vmem>>)
      %dma_wait3A_182 = arith.constant 0 : i32
      %dma_wait3A_183 = arith.constant 0 : i32
      %dma_wait3A_184 = arith.constant 0 : i32
      %dma_wait3A_185 = arith.constant 128 : i32
      %dma_wait3A_186 = arith.constant 0 : i32
      %dma_wait3A_187 = tpu.memref_slice %arg6[%dma_wait3A_183, %dma_wait3A_184, %dma_wait3A_185, %dma_wait3A_186] : memref<2x2x200x64xf32, #tpu.memory_space<vmem>> -> memref<1x1x72x64xf32, #tpu.memory_space<vmem>>
      %dma_wait3A_188 = tpu.memref_squeeze %dma_wait3A_187 : memref<1x1x72x64xf32, #tpu.memory_space<vmem>> -> memref<72x64xf32, #tpu.memory_space<vmem>>
      %dma_wait3A_189 = arith.constant 0 : i32
      %dma_wait3A_190 = tpu.memref_slice %arg5[%dma_wait3A_182, %dma_wait3A_189] : memref<128x200xi32, #tpu.memory_space<vmem>> -> memref<1x72xi32, #tpu.memory_space<vmem>>
      %dma_wait3A_191 = tpu.memref_squeeze %dma_wait3A_190 : memref<1x72xi32, #tpu.memory_space<vmem>> -> memref<72xi32, #tpu.memory_space<vmem>>
      %dma_wait3A_192 = arith.constant 0 : i32
      %dma_wait3A_193 = arith.constant 0 : i32
      %dma_wait3A_194 = tpu.memref_slice %arg3[%dma_wait3A_192, %dma_wait3A_193] : memref<1000000x64xf32, #tpu.memory_space<hbm>> -> memref<1000000x64xf32, #tpu.memory_space<hbm>>
      tpu.wait_indirect_dma semaphore(%arg7 : memref<!tpu.dma_semaphore, #tpu.memory_space<semaphore_mem>>) src(%dma_wait3A_194 : memref<1000000x64xf32, #tpu.memory_space<hbm>>) dst(%dma_wait3A_188 : memref<72x64xf32, #tpu.memory_space<vmem>>)
      %dma_wait3A_195 = arith.constant 0 : i32
      %dma_wait3A_196 = arith.constant 0 : i32
      %dma_wait3A_197 = arith.constant 1 : i32
      %dma_wait3A_198 = arith.constant 0 : i32
      %dma_wait3A_199 = arith.constant 0 : i32
      %dma_wait3A_200 = tpu.memref_slice %arg6[%dma_wait3A_196, %dma_wait3A_197, %dma_wait3A_198, %dma_wait3A_199] : memref<2x2x200x64xf32, #tpu.memory_space<vmem>> -> memref<1x1x128x64xf32, #tpu.memory_space<vmem>>
      %dma_wait3A_201 = tpu.memref_squeeze %dma_wait3A_200 : memref<1x1x128x64xf32, #tpu.memory_space<vmem>> -> memref<128x64xf32, #tpu.memory_space<vmem>>
      %dma_wait3A_202 = arith.constant 0 : i32
      %dma_wait3A_203 = tpu.memref_slice %arg5[%dma_wait3A_195, %dma_wait3A_202] : memref<128x200xi32, #tpu.memory_space<vmem>> -> memref<1x128xi32, #tpu.memory_space<vmem>>
      %dma_wait3A_204 = tpu.memref_squeeze %dma_wait3A_203 : memref<1x128xi32, #tpu.memory_space<vmem>> -> memref<128xi32, #tpu.memory_space<vmem>>
      %dma_wait3A_205 = arith.constant 0 : i32
      %dma_wait3A_206 = arith.constant 0 : i32
      %dma_wait3A_207 = tpu.memref_slice %arg3[%dma_wait3A_205, %dma_wait3A_206] : memref<1000000x64xf32, #tpu.memory_space<hbm>> -> memref<1000000x64xf32, #tpu.memory_space<hbm>>
      tpu.wait_indirect_dma semaphore(%arg7 : memref<!tpu.dma_semaphore, #tpu.memory_space<semaphore_mem>>) src(%dma_wait3A_207 : memref<1000000x64xf32, #tpu.memory_space<hbm>>) dst(%dma_wait3A_201 : memref<128x64xf32, #tpu.memory_space<vmem>>)
      %dma_wait3A_208 = arith.constant 0 : i32
      %dma_wait3A_209 = arith.constant 0 : i32
      %dma_wait3A_210 = arith.constant 1 : i32
      %dma_wait3A_211 = arith.constant 128 : i32
      %dma_wait3A_212 = arith.constant 0 : i32
      %dma_wait3A_213 = tpu.memref_slice %arg6[%dma_wait3A_209, %dma_wait3A_210, %dma_wait3A_211, %dma_wait3A_212] : memref<2x2x200x64xf32, #tpu.memory_space<vmem>> -> memref<1x1x72x64xf32, #tpu.memory_space<vmem>>
      %dma_wait3A_214 = tpu.memref_squeeze %dma_wait3A_213 : memref<1x1x72x64xf32, #tpu.memory_space<vmem>> -> memref<72x64xf32, #tpu.memory_space<vmem>>
      %dma_wait3A_215 = arith.constant 0 : i32
      %dma_wait3A_216 = tpu.memref_slice %arg5[%dma_wait3A_208, %dma_wait3A_215] : memref<128x200xi32, #tpu.memory_space<vmem>> -> memref<1x72xi32, #tpu.memory_space<vmem>>
      %dma_wait3A_217 = tpu.memref_squeeze %dma_wait3A_216 : memref<1x72xi32, #tpu.memory_space<vmem>> -> memref<72xi32, #tpu.memory_space<vmem>>
      %dma_wait3A_218 = arith.constant 0 : i32
      %dma_wait3A_219 = arith.constant 0 : i32
      %dma_wait3A_220 = tpu.memref_slice %arg3[%dma_wait3A_218, %dma_wait3A_219] : memref<1000000x64xf32, #tpu.memory_space<hbm>> -> memref<1000000x64xf32, #tpu.memory_space<hbm>>
      tpu.wait_indirect_dma semaphore(%arg7 : memref<!tpu.dma_semaphore, #tpu.memory_space<semaphore_mem>>) src(%dma_wait3A_220 : memref<1000000x64xf32, #tpu.memory_space<hbm>>) dst(%dma_wait3A_214 : memref<72x64xf32, #tpu.memory_space<vmem>>)
      %mul3A_221 = arith.constant 2 : i32
      %mul3A_222 = arith.muli %mul3A_221, %scan3A_97 : i32
      %mul3A_223 = arith.constant 2 : i32
      %mul3A_224 = arith.muli %mul3A_222, %mul3A_223 : i32
      %add3A_225 = arith.addi %mul3A_2, %mul3A_224 : i32
      %dma_start3A_226 = arith.constant 0 : i32
      %dma_start3A_227 = arith.constant 0 : i32
      %dma_start3A_228 = arith.constant 0 : i32
      %dma_start3A_229 = arith.constant 0 : i32
      %dma_start3A_230 = tpu.memref_slice %arg6[%dma_start3A_226, %dma_start3A_227, %dma_start3A_228, %dma_start3A_229] : memref<2x2x200x64xf32, #tpu.memory_space<vmem>> -> memref<1x2x200x64xf32, #tpu.memory_space<vmem>>
      %dma_start3A_231 = tpu.memref_squeeze %dma_start3A_230 : memref<1x2x200x64xf32, #tpu.memory_space<vmem>> -> memref<2x200x64xf32, #tpu.memory_space<vmem>>
      %dma_start3A_232 = arith.constant 0 : i32
      %dma_start3A_233 = arith.constant 0 : i32
      %dma_start3A_234 = tpu.memref_slice %arg4[%add3A_225, %dma_start3A_232, %dma_start3A_233] : memref<4096x200x64xf32, #tpu.memory_space<hbm>> -> memref<2x200x64xf32, #tpu.memory_space<hbm>>
      %dma_start3A_235 = arith.constant 0 : i32
      %dma_start3A_236 = arith.constant 0 : i32
      %dma_start3A_237 = tpu.memref_slice %arg4[%add3A_225, %dma_start3A_235, %dma_start3A_236] : memref<4096x200x64xf32, #tpu.memory_space<hbm>> -> memref<2x200x64xf32, #tpu.memory_space<hbm>>
      %dma_start3A_238 = arith.constant 0 : i32
      %dma_start3A_239 = arith.constant 0 : i32
      %dma_start3A_240 = arith.constant 0 : i32
      %dma_start3A_241 = tpu.memref_slice %arg6[%dma_start3A_226, %dma_start3A_238, %dma_start3A_239, %dma_start3A_240] : memref<2x2x200x64xf32, #tpu.memory_space<vmem>> -> memref<1x2x200x64xf32, #tpu.memory_space<vmem>>
      %dma_start3A_242 = tpu.memref_squeeze %dma_start3A_241 : memref<1x2x200x64xf32, #tpu.memory_space<vmem>> -> memref<2x200x64xf32, #tpu.memory_space<vmem>>
      tpu.enqueue_dma source(%dma_start3A_242 : memref<2x200x64xf32, #tpu.memory_space<vmem>>) target(%dma_start3A_237 : memref<2x200x64xf32, #tpu.memory_space<hbm>>) target_semaphore(%arg9 : memref<!tpu.dma_semaphore, #tpu.memory_space<semaphore_mem>>)
      %lt3A = arith.constant 31 : i32
      %lt3A_243 = arith.cmpi slt, %scan3A_97, %lt3A : i32
      %convert_element_type3A_244 = arith.extui %lt3A_243 : i1 to i32
      %cond3A_245 = arith.constant 0 : i32
      %cond3A_246 = arith.cmpi ne, %convert_element_type3A_244, %cond3A_245 : i32
      scf.if %cond3A_246 {
        %dma_wait3A_324 = arith.constant 0 : i32
        %dma_wait3A_325 = arith.constant 0 : i32
        %dma_wait3A_326 = arith.constant 0 : i32
        %dma_wait3A_327 = arith.constant 0 : i32
        %dma_wait3A_328 = tpu.memref_slice %arg6[%dma_wait3A_324, %dma_wait3A_325, %dma_wait3A_326, %dma_wait3A_327] : memref<2x2x200x64xf32, #tpu.memory_space<vmem>> -> memref<1x2x200x64xf32, #tpu.memory_space<vmem>>
        %dma_wait3A_329 = tpu.memref_squeeze %dma_wait3A_328 : memref<1x2x200x64xf32, #tpu.memory_space<vmem>> -> memref<2x200x64xf32, #tpu.memory_space<vmem>>
        %dma_wait3A_330 = arith.constant 0 : i32
        %dma_wait3A_331 = arith.constant 0 : i32
        %dma_wait3A_332 = arith.constant 0 : i32
        %dma_wait3A_333 = tpu.memref_slice %arg4[%dma_wait3A_330, %dma_wait3A_331, %dma_wait3A_332] : memref<4096x200x64xf32, #tpu.memory_space<hbm>> -> memref<2x200x64xf32, #tpu.memory_space<hbm>>
        %dma_wait3A_334 = arith.constant 0 : i32
        %dma_wait3A_335 = arith.constant 0 : i32
        %dma_wait3A_336 = arith.constant 0 : i32
        %dma_wait3A_337 = tpu.memref_slice %arg4[%dma_wait3A_334, %dma_wait3A_335, %dma_wait3A_336] : memref<4096x200x64xf32, #tpu.memory_space<hbm>> -> memref<2x200x64xf32, #tpu.memory_space<hbm>>
        %dma_wait3A_338 = arith.constant 0 : i32
        %dma_wait3A_339 = arith.constant 0 : i32
        %dma_wait3A_340 = arith.constant 0 : i32
        %dma_wait3A_341 = tpu.memref_slice %arg6[%dma_wait3A_324, %dma_wait3A_338, %dma_wait3A_339, %dma_wait3A_340] : memref<2x2x200x64xf32, #tpu.memory_space<vmem>> -> memref<1x2x200x64xf32, #tpu.memory_space<vmem>>
        %dma_wait3A_342 = tpu.memref_squeeze %dma_wait3A_341 : memref<1x2x200x64xf32, #tpu.memory_space<vmem>> -> memref<2x200x64xf32, #tpu.memory_space<vmem>>
        tpu.wait_dma2 semaphore(%arg9 : memref<!tpu.dma_semaphore, #tpu.memory_space<semaphore_mem>>) src(%dma_wait3A_342 : memref<2x200x64xf32, #tpu.memory_space<vmem>>) dst(%dma_wait3A_337 : memref<2x200x64xf32, #tpu.memory_space<hbm>>)
        %mul3A_343 = arith.constant 2 : i32
        %mul3A_344 = arith.muli %mul3A_343, %scan3A_97 : i32
        %add3A_345 = arith.constant 2 : i32
        %add3A_346 = arith.addi %mul3A_344, %add3A_345 : i32
        %mul3A_347 = arith.constant 2 : i32
        %mul3A_348 = arith.muli %add3A_346, %mul3A_347 : i32
        %add3A_349 = arith.constant 0 : i32
        %add3A_350 = arith.addi %mul3A_348, %add3A_349 : i32
        %dma_start3A_351 = arith.constant 0 : i32
        %dma_start3A_352 = arith.constant 0 : i32
        %dma_start3A_353 = arith.constant 0 : i32
        %dma_start3A_354 = arith.constant 0 : i32
        %dma_start3A_355 = tpu.memref_slice %arg6[%dma_start3A_351, %dma_start3A_352, %dma_start3A_353, %dma_start3A_354] : memref<2x2x200x64xf32, #tpu.memory_space<vmem>> -> memref<1x1x128x64xf32, #tpu.memory_space<vmem>>
        %dma_start3A_356 = tpu.memref_squeeze %dma_start3A_355 : memref<1x1x128x64xf32, #tpu.memory_space<vmem>> -> memref<128x64xf32, #tpu.memory_space<vmem>>
        %dma_start3A_357 = arith.constant 0 : i32
        %dma_start3A_358 = tpu.memref_slice %arg5[%add3A_350, %dma_start3A_357] : memref<128x200xi32, #tpu.memory_space<vmem>> -> memref<1x128xi32, #tpu.memory_space<vmem>>
        %dma_start3A_359 = tpu.memref_squeeze %dma_start3A_358 : memref<1x128xi32, #tpu.memory_space<vmem>> -> memref<128xi32, #tpu.memory_space<vmem>>
        %dma_start3A_360 = arith.constant 0 : i32
        %dma_start3A_361 = arith.constant 0 : i32
        %dma_start3A_362 = tpu.memref_slice %arg3[%dma_start3A_360, %dma_start3A_361] : memref<1000000x64xf32, #tpu.memory_space<hbm>> -> memref<1000000x64xf32, #tpu.memory_space<hbm>>
        tpu.enqueue_indirect_dma source(%dma_start3A_362 : memref<1000000x64xf32, #tpu.memory_space<hbm>>) target(%dma_start3A_356 : memref<128x64xf32, #tpu.memory_space<vmem>>) offsets(%dma_start3A_359 : memref<128xi32, #tpu.memory_space<vmem>>) semaphore(%arg7 : memref<!tpu.dma_semaphore, #tpu.memory_space<semaphore_mem>>)
        %mul3A_363 = arith.constant 2 : i32
        %mul3A_364 = arith.muli %add3A_346, %mul3A_363 : i32
        %add3A_365 = arith.constant 0 : i32
        %add3A_366 = arith.addi %mul3A_364, %add3A_365 : i32
        %dma_start3A_367 = arith.constant 0 : i32
        %dma_start3A_368 = arith.constant 0 : i32
        %dma_start3A_369 = arith.constant 128 : i32
        %dma_start3A_370 = arith.constant 0 : i32
        %dma_start3A_371 = tpu.memref_slice %arg6[%dma_start3A_367, %dma_start3A_368, %dma_start3A_369, %dma_start3A_370] : memref<2x2x200x64xf32, #tpu.memory_space<vmem>> -> memref<1x1x72x64xf32, #tpu.memory_space<vmem>>
        %dma_start3A_372 = tpu.memref_squeeze %dma_start3A_371 : memref<1x1x72x64xf32, #tpu.memory_space<vmem>> -> memref<72x64xf32, #tpu.memory_space<vmem>>
        %dma_start3A_373 = arith.constant 128 : i32
        %dma_start3A_374 = tpu.memref_slice %arg5[%add3A_366, %dma_start3A_373] : memref<128x200xi32, #tpu.memory_space<vmem>> -> memref<1x72xi32, #tpu.memory_space<vmem>>
        %dma_start3A_375 = tpu.memref_squeeze %dma_start3A_374 : memref<1x72xi32, #tpu.memory_space<vmem>> -> memref<72xi32, #tpu.memory_space<vmem>>
        %dma_start3A_376 = arith.constant 0 : i32
        %dma_start3A_377 = arith.constant 0 : i32
        %dma_start3A_378 = tpu.memref_slice %arg3[%dma_start3A_376, %dma_start3A_377] : memref<1000000x64xf32, #tpu.memory_space<hbm>> -> memref<1000000x64xf32, #tpu.memory_space<hbm>>
        tpu.enqueue_indirect_dma source(%dma_start3A_378 : memref<1000000x64xf32, #tpu.memory_space<hbm>>) target(%dma_start3A_372 : memref<72x64xf32, #tpu.memory_space<vmem>>) offsets(%dma_start3A_375 : memref<72xi32, #tpu.memory_space<vmem>>) semaphore(%arg7 : memref<!tpu.dma_semaphore, #tpu.memory_space<semaphore_mem>>)
        %mul3A_379 = arith.constant 2 : i32
        %mul3A_380 = arith.muli %add3A_346, %mul3A_379 : i32
        %add3A_381 = arith.constant 1 : i32
        %add3A_382 = arith.addi %mul3A_380, %add3A_381 : i32
        %dma_start3A_383 = arith.constant 0 : i32
        %dma_start3A_384 = arith.constant 1 : i32
        %dma_start3A_385 = arith.constant 0 : i32
        %dma_start3A_386 = arith.constant 0 : i32
        %dma_start3A_387 = tpu.memref_slice %arg6[%dma_start3A_383, %dma_start3A_384, %dma_start3A_385, %dma_start3A_386] : memref<2x2x200x64xf32, #tpu.memory_space<vmem>> -> memref<1x1x128x64xf32, #tpu.memory_space<vmem>>
        %dma_start3A_388 = tpu.memref_squeeze %dma_start3A_387 : memref<1x1x128x64xf32, #tpu.memory_space<vmem>> -> memref<128x64xf32, #tpu.memory_space<vmem>>
        %dma_start3A_389 = arith.constant 0 : i32
        %dma_start3A_390 = tpu.memref_slice %arg5[%add3A_382, %dma_start3A_389] : memref<128x200xi32, #tpu.memory_space<vmem>> -> memref<1x128xi32, #tpu.memory_space<vmem>>
        %dma_start3A_391 = tpu.memref_squeeze %dma_start3A_390 : memref<1x128xi32, #tpu.memory_space<vmem>> -> memref<128xi32, #tpu.memory_space<vmem>>
        %dma_start3A_392 = arith.constant 0 : i32
        %dma_start3A_393 = arith.constant 0 : i32
        %dma_start3A_394 = tpu.memref_slice %arg3[%dma_start3A_392, %dma_start3A_393] : memref<1000000x64xf32, #tpu.memory_space<hbm>> -> memref<1000000x64xf32, #tpu.memory_space<hbm>>
        tpu.enqueue_indirect_dma source(%dma_start3A_394 : memref<1000000x64xf32, #tpu.memory_space<hbm>>) target(%dma_start3A_388 : memref<128x64xf32, #tpu.memory_space<vmem>>) offsets(%dma_start3A_391 : memref<128xi32, #tpu.memory_space<vmem>>) semaphore(%arg7 : memref<!tpu.dma_semaphore, #tpu.memory_space<semaphore_mem>>)
        %mul3A_395 = arith.constant 2 : i32
        %mul3A_396 = arith.muli %add3A_346, %mul3A_395 : i32
        %add3A_397 = arith.constant 1 : i32
        %add3A_398 = arith.addi %mul3A_396, %add3A_397 : i32
        %dma_start3A_399 = arith.constant 0 : i32
        %dma_start3A_400 = arith.constant 1 : i32
        %dma_start3A_401 = arith.constant 128 : i32
        %dma_start3A_402 = arith.constant 0 : i32
        %dma_start3A_403 = tpu.memref_slice %arg6[%dma_start3A_399, %dma_start3A_400, %dma_start3A_401, %dma_start3A_402] : memref<2x2x200x64xf32, #tpu.memory_space<vmem>> -> memref<1x1x72x64xf32, #tpu.memory_space<vmem>>
        %dma_start3A_404 = tpu.memref_squeeze %dma_start3A_403 : memref<1x1x72x64xf32, #tpu.memory_space<vmem>> -> memref<72x64xf32, #tpu.memory_space<vmem>>
        %dma_start3A_405 = arith.constant 128 : i32
        %dma_start3A_406 = tpu.memref_slice %arg5[%add3A_398, %dma_start3A_405] : memref<128x200xi32, #tpu.memory_space<vmem>> -> memref<1x72xi32, #tpu.memory_space<vmem>>
        %dma_start3A_407 = tpu.memref_squeeze %dma_start3A_406 : memref<1x72xi32, #tpu.memory_space<vmem>> -> memref<72xi32, #tpu.memory_space<vmem>>
        %dma_start3A_408 = arith.constant 0 : i32
        %dma_start3A_409 = arith.constant 0 : i32
        %dma_start3A_410 = tpu.memref_slice %arg3[%dma_start3A_408, %dma_start3A_409] : memref<1000000x64xf32, #tpu.memory_space<hbm>> -> memref<1000000x64xf32, #tpu.memory_space<hbm>>
        tpu.enqueue_indirect_dma source(%dma_start3A_410 : memref<1000000x64xf32, #tpu.memory_space<hbm>>) target(%dma_start3A_404 : memref<72x64xf32, #tpu.memory_space<vmem>>) offsets(%dma_start3A_407 : memref<72xi32, #tpu.memory_space<vmem>>) semaphore(%arg7 : memref<!tpu.dma_semaphore, #tpu.memory_space<semaphore_mem>>)
      } else {
      }
      %dma_wait3A_247 = arith.constant 0 : i32
      %dma_wait3A_248 = arith.constant 1 : i32
      %dma_wait3A_249 = arith.constant 0 : i32
      %dma_wait3A_250 = arith.constant 0 : i32
      %dma_wait3A_251 = arith.constant 0 : i32
      %dma_wait3A_252 = tpu.memref_slice %arg6[%dma_wait3A_248, %dma_wait3A_249, %dma_wait3A_250, %dma_wait3A_251] : memref<2x2x200x64xf32, #tpu.memory_space<vmem>> -> memref<1x1x128x64xf32, #tpu.memory_space<vmem>>
      %dma_wait3A_253 = tpu.memref_squeeze %dma_wait3A_252 : memref<1x1x128x64xf32, #tpu.memory_space<vmem>> -> memref<128x64xf32, #tpu.memory_space<vmem>>
      %dma_wait3A_254 = arith.constant 0 : i32
      %dma_wait3A_255 = tpu.memref_slice %arg5[%dma_wait3A_247, %dma_wait3A_254] : memref<128x200xi32, #tpu.memory_space<vmem>> -> memref<1x128xi32, #tpu.memory_space<vmem>>
      %dma_wait3A_256 = tpu.memref_squeeze %dma_wait3A_255 : memref<1x128xi32, #tpu.memory_space<vmem>> -> memref<128xi32, #tpu.memory_space<vmem>>
      %dma_wait3A_257 = arith.constant 0 : i32
      %dma_wait3A_258 = arith.constant 0 : i32
      %dma_wait3A_259 = tpu.memref_slice %arg3[%dma_wait3A_257, %dma_wait3A_258] : memref<1000000x64xf32, #tpu.memory_space<hbm>> -> memref<1000000x64xf32, #tpu.memory_space<hbm>>
      tpu.wait_indirect_dma semaphore(%arg8 : memref<!tpu.dma_semaphore, #tpu.memory_space<semaphore_mem>>) src(%dma_wait3A_259 : memref<1000000x64xf32, #tpu.memory_space<hbm>>) dst(%dma_wait3A_253 : memref<128x64xf32, #tpu.memory_space<vmem>>)
      %dma_wait3A_260 = arith.constant 0 : i32
      %dma_wait3A_261 = arith.constant 1 : i32
      %dma_wait3A_262 = arith.constant 0 : i32
      %dma_wait3A_263 = arith.constant 128 : i32
      %dma_wait3A_264 = arith.constant 0 : i32
      %dma_wait3A_265 = tpu.memref_slice %arg6[%dma_wait3A_261, %dma_wait3A_262, %dma_wait3A_263, %dma_wait3A_264] : memref<2x2x200x64xf32, #tpu.memory_space<vmem>> -> memref<1x1x72x64xf32, #tpu.memory_space<vmem>>
      %dma_wait3A_266 = tpu.memref_squeeze %dma_wait3A_265 : memref<1x1x72x64xf32, #tpu.memory_space<vmem>> -> memref<72x64xf32, #tpu.memory_space<vmem>>
      %dma_wait3A_267 = arith.constant 0 : i32
      %dma_wait3A_268 = tpu.memref_slice %arg5[%dma_wait3A_260, %dma_wait3A_267] : memref<128x200xi32, #tpu.memory_space<vmem>> -> memref<1x72xi32, #tpu.memory_space<vmem>>
      %dma_wait3A_269 = tpu.memref_squeeze %dma_wait3A_268 : memref<1x72xi32, #tpu.memory_space<vmem>> -> memref<72xi32, #tpu.memory_space<vmem>>
      %dma_wait3A_270 = arith.constant 0 : i32
      %dma_wait3A_271 = arith.constant 0 : i32
      %dma_wait3A_272 = tpu.memref_slice %arg3[%dma_wait3A_270, %dma_wait3A_271] : memref<1000000x64xf32, #tpu.memory_space<hbm>> -> memref<1000000x64xf32, #tpu.memory_space<hbm>>
      tpu.wait_indirect_dma semaphore(%arg8 : memref<!tpu.dma_semaphore, #tpu.memory_space<semaphore_mem>>) src(%dma_wait3A_272 : memref<1000000x64xf32, #tpu.memory_space<hbm>>) dst(%dma_wait3A_266 : memref<72x64xf32, #tpu.memory_space<vmem>>)
      %dma_wait3A_273 = arith.constant 0 : i32
      %dma_wait3A_274 = arith.constant 1 : i32
      %dma_wait3A_275 = arith.constant 1 : i32
      %dma_wait3A_276 = arith.constant 0 : i32
      %dma_wait3A_277 = arith.constant 0 : i32
      %dma_wait3A_278 = tpu.memref_slice %arg6[%dma_wait3A_274, %dma_wait3A_275, %dma_wait3A_276, %dma_wait3A_277] : memref<2x2x200x64xf32, #tpu.memory_space<vmem>> -> memref<1x1x128x64xf32, #tpu.memory_space<vmem>>
      %dma_wait3A_279 = tpu.memref_squeeze %dma_wait3A_278 : memref<1x1x128x64xf32, #tpu.memory_space<vmem>> -> memref<128x64xf32, #tpu.memory_space<vmem>>
      %dma_wait3A_280 = arith.constant 0 : i32
      %dma_wait3A_281 = tpu.memref_slice %arg5[%dma_wait3A_273, %dma_wait3A_280] : memref<128x200xi32, #tpu.memory_space<vmem>> -> memref<1x128xi32, #tpu.memory_space<vmem>>
      %dma_wait3A_282 = tpu.memref_squeeze %dma_wait3A_281 : memref<1x128xi32, #tpu.memory_space<vmem>> -> memref<128xi32, #tpu.memory_space<vmem>>
      %dma_wait3A_283 = arith.constant 0 : i32
      %dma_wait3A_284 = arith.constant 0 : i32
      %dma_wait3A_285 = tpu.memref_slice %arg3[%dma_wait3A_283, %dma_wait3A_284] : memref<1000000x64xf32, #tpu.memory_space<hbm>> -> memref<1000000x64xf32, #tpu.memory_space<hbm>>
      tpu.wait_indirect_dma semaphore(%arg8 : memref<!tpu.dma_semaphore, #tpu.memory_space<semaphore_mem>>) src(%dma_wait3A_285 : memref<1000000x64xf32, #tpu.memory_space<hbm>>) dst(%dma_wait3A_279 : memref<128x64xf32, #tpu.memory_space<vmem>>)
      %dma_wait3A_286 = arith.constant 0 : i32
      %dma_wait3A_287 = arith.constant 1 : i32
      %dma_wait3A_288 = arith.constant 1 : i32
      %dma_wait3A_289 = arith.constant 128 : i32
      %dma_wait3A_290 = arith.constant 0 : i32
      %dma_wait3A_291 = tpu.memref_slice %arg6[%dma_wait3A_287, %dma_wait3A_288, %dma_wait3A_289, %dma_wait3A_290] : memref<2x2x200x64xf32, #tpu.memory_space<vmem>> -> memref<1x1x72x64xf32, #tpu.memory_space<vmem>>
      %dma_wait3A_292 = tpu.memref_squeeze %dma_wait3A_291 : memref<1x1x72x64xf32, #tpu.memory_space<vmem>> -> memref<72x64xf32, #tpu.memory_space<vmem>>
      %dma_wait3A_293 = arith.constant 0 : i32
      %dma_wait3A_294 = tpu.memref_slice %arg5[%dma_wait3A_286, %dma_wait3A_293] : memref<128x200xi32, #tpu.memory_space<vmem>> -> memref<1x72xi32, #tpu.memory_space<vmem>>
      %dma_wait3A_295 = tpu.memref_squeeze %dma_wait3A_294 : memref<1x72xi32, #tpu.memory_space<vmem>> -> memref<72xi32, #tpu.memory_space<vmem>>
      %dma_wait3A_296 = arith.constant 0 : i32
      %dma_wait3A_297 = arith.constant 0 : i32
      %dma_wait3A_298 = tpu.memref_slice %arg3[%dma_wait3A_296, %dma_wait3A_297] : memref<1000000x64xf32, #tpu.memory_space<hbm>> -> memref<1000000x64xf32, #tpu.memory_space<hbm>>
      tpu.wait_indirect_dma semaphore(%arg8 : memref<!tpu.dma_semaphore, #tpu.memory_space<semaphore_mem>>) src(%dma_wait3A_298 : memref<1000000x64xf32, #tpu.memory_space<hbm>>) dst(%dma_wait3A_292 : memref<72x64xf32, #tpu.memory_space<vmem>>)
      %mul3A_299 = arith.constant 2 : i32
      %mul3A_300 = arith.muli %mul3A_299, %scan3A_97 : i32
      %add3A_301 = arith.constant 1 : i32
      %add3A_302 = arith.addi %mul3A_300, %add3A_301 : i32
      %mul3A_303 = arith.constant 2 : i32
      %mul3A_304 = arith.muli %add3A_302, %mul3A_303 : i32
      %add3A_305 = arith.addi %mul3A_2, %mul3A_304 : i32
      %dma_start3A_306 = arith.constant 1 : i32
      %dma_start3A_307 = arith.constant 0 : i32
      %dma_start3A_308 = arith.constant 0 : i32
      %dma_start3A_309 = arith.constant 0 : i32
      %dma_start3A_310 = tpu.memref_slice %arg6[%dma_start3A_306, %dma_start3A_307, %dma_start3A_308, %dma_start3A_309] : memref<2x2x200x64xf32, #tpu.memory_space<vmem>> -> memref<1x2x200x64xf32, #tpu.memory_space<vmem>>
      %dma_start3A_311 = tpu.memref_squeeze %dma_start3A_310 : memref<1x2x200x64xf32, #tpu.memory_space<vmem>> -> memref<2x200x64xf32, #tpu.memory_space<vmem>>
      %dma_start3A_312 = arith.constant 0 : i32
      %dma_start3A_313 = arith.constant 0 : i32
      %dma_start3A_314 = tpu.memref_slice %arg4[%add3A_305, %dma_start3A_312, %dma_start3A_313] : memref<4096x200x64xf32, #tpu.memory_space<hbm>> -> memref<2x200x64xf32, #tpu.memory_space<hbm>>
      %dma_start3A_315 = arith.constant 0 : i32
      %dma_start3A_316 = arith.constant 0 : i32
      %dma_start3A_317 = tpu.memref_slice %arg4[%add3A_305, %dma_start3A_315, %dma_start3A_316] : memref<4096x200x64xf32, #tpu.memory_space<hbm>> -> memref<2x200x64xf32, #tpu.memory_space<hbm>>
      %dma_start3A_318 = arith.constant 0 : i32
      %dma_start3A_319 = arith.constant 0 : i32
      %dma_start3A_320 = arith.constant 0 : i32
      %dma_start3A_321 = tpu.memref_slice %arg6[%dma_start3A_306, %dma_start3A_318, %dma_start3A_319, %dma_start3A_320] : memref<2x2x200x64xf32, #tpu.memory_space<vmem>> -> memref<1x2x200x64xf32, #tpu.memory_space<vmem>>
      %dma_start3A_322 = tpu.memref_squeeze %dma_start3A_321 : memref<1x2x200x64xf32, #tpu.memory_space<vmem>> -> memref<2x200x64xf32, #tpu.memory_space<vmem>>
      tpu.enqueue_dma source(%dma_start3A_322 : memref<2x200x64xf32, #tpu.memory_space<vmem>>) target(%dma_start3A_317 : memref<2x200x64xf32, #tpu.memory_space<hbm>>) target_semaphore(%arg10 : memref<!tpu.dma_semaphore, #tpu.memory_space<semaphore_mem>>)
      %scan3A_323 = arith.constant 0 : i32
      scf.yield %scan3A_323 : i32
    }
    %scan3A_59 = arith.constant 32 : i32
    %dma_wait3A = arith.constant 0 : i32
    %dma_wait3A_60 = arith.constant 0 : i32
    %dma_wait3A_61 = arith.constant 0 : i32
    %dma_wait3A_62 = arith.constant 0 : i32
    %dma_wait3A_63 = tpu.memref_slice %arg6[%dma_wait3A, %dma_wait3A_60, %dma_wait3A_61, %dma_wait3A_62] : memref<2x2x200x64xf32, #tpu.memory_space<vmem>> -> memref<1x2x200x64xf32, #tpu.memory_space<vmem>>
    %dma_wait3A_64 = tpu.memref_squeeze %dma_wait3A_63 : memref<1x2x200x64xf32, #tpu.memory_space<vmem>> -> memref<2x200x64xf32, #tpu.memory_space<vmem>>
    %dma_wait3A_65 = arith.constant 0 : i32
    %dma_wait3A_66 = arith.constant 0 : i32
    %dma_wait3A_67 = arith.constant 0 : i32
    %dma_wait3A_68 = tpu.memref_slice %arg4[%dma_wait3A_65, %dma_wait3A_66, %dma_wait3A_67] : memref<4096x200x64xf32, #tpu.memory_space<hbm>> -> memref<2x200x64xf32, #tpu.memory_space<hbm>>
    %dma_wait3A_69 = arith.constant 0 : i32
    %dma_wait3A_70 = arith.constant 0 : i32
    %dma_wait3A_71 = arith.constant 0 : i32
    %dma_wait3A_72 = tpu.memref_slice %arg4[%dma_wait3A_69, %dma_wait3A_70, %dma_wait3A_71] : memref<4096x200x64xf32, #tpu.memory_space<hbm>> -> memref<2x200x64xf32, #tpu.memory_space<hbm>>
    %dma_wait3A_73 = arith.constant 0 : i32
    %dma_wait3A_74 = arith.constant 0 : i32
    %dma_wait3A_75 = arith.constant 0 : i32
    %dma_wait3A_76 = tpu.memref_slice %arg6[%dma_wait3A, %dma_wait3A_73, %dma_wait3A_74, %dma_wait3A_75] : memref<2x2x200x64xf32, #tpu.memory_space<vmem>> -> memref<1x2x200x64xf32, #tpu.memory_space<vmem>>
    %dma_wait3A_77 = tpu.memref_squeeze %dma_wait3A_76 : memref<1x2x200x64xf32, #tpu.memory_space<vmem>> -> memref<2x200x64xf32, #tpu.memory_space<vmem>>
    tpu.wait_dma2 semaphore(%arg9 : memref<!tpu.dma_semaphore, #tpu.memory_space<semaphore_mem>>) src(%dma_wait3A_77 : memref<2x200x64xf32, #tpu.memory_space<vmem>>) dst(%dma_wait3A_72 : memref<2x200x64xf32, #tpu.memory_space<hbm>>)
    %dma_wait3A_78 = arith.constant 1 : i32
    %dma_wait3A_79 = arith.constant 0 : i32
    %dma_wait3A_80 = arith.constant 0 : i32
    %dma_wait3A_81 = arith.constant 0 : i32
    %dma_wait3A_82 = tpu.memref_slice %arg6[%dma_wait3A_78, %dma_wait3A_79, %dma_wait3A_80, %dma_wait3A_81] : memref<2x2x200x64xf32, #tpu.memory_space<vmem>> -> memref<1x2x200x64xf32, #tpu.memory_space<vmem>>
    %dma_wait3A_83 = tpu.memref_squeeze %dma_wait3A_82 : memref<1x2x200x64xf32, #tpu.memory_space<vmem>> -> memref<2x200x64xf32, #tpu.memory_space<vmem>>
    %dma_wait3A_84 = arith.constant 0 : i32
    %dma_wait3A_85 = arith.constant 0 : i32
    %dma_wait3A_86 = arith.constant 0 : i32
    %dma_wait3A_87 = tpu.memref_slice %arg4[%dma_wait3A_84, %dma_wait3A_85, %dma_wait3A_86] : memref<4096x200x64xf32, #tpu.memory_space<hbm>> -> memref<2x200x64xf32, #tpu.memory_space<hbm>>
    %dma_wait3A_88 = arith.constant 0 : i32
    %dma_wait3A_89 = arith.constant 0 : i32
    %dma_wait3A_90 = arith.constant 0 : i32
    %dma_wait3A_91 = tpu.memref_slice %arg4[%dma_wait3A_88, %dma_wait3A_89, %dma_wait3A_90] : memref<4096x200x64xf32, #tpu.memory_space<hbm>> -> memref<2x200x64xf32, #tpu.memory_space<hbm>>
    %dma_wait3A_92 = arith.constant 0 : i32
    %dma_wait3A_93 = arith.constant 0 : i32
    %dma_wait3A_94 = arith.constant 0 : i32
    %dma_wait3A_95 = tpu.memref_slice %arg6[%dma_wait3A_78, %dma_wait3A_92, %dma_wait3A_93, %dma_wait3A_94] : memref<2x2x200x64xf32, #tpu.memory_space<vmem>> -> memref<1x2x200x64xf32, #tpu.memory_space<vmem>>
    %dma_wait3A_96 = tpu.memref_squeeze %dma_wait3A_95 : memref<1x2x200x64xf32, #tpu.memory_space<vmem>> -> memref<2x200x64xf32, #tpu.memory_space<vmem>>
    tpu.wait_dma2 semaphore(%arg10 : memref<!tpu.dma_semaphore, #tpu.memory_space<semaphore_mem>>) src(%dma_wait3A_96 : memref<2x200x64xf32, #tpu.memory_space<vmem>>) dst(%dma_wait3A_91 : memref<2x200x64xf32, #tpu.memory_space<hbm>>)
    return
  }
}

</mosaic_0001>

<sc_bundles>
// kernel: kernel.3.cloned.1.call-start
scs
__scs_entry_jumppad:
0x0: {  	(pc) =	sbr.rel $0x88, $3  }
0x1: {  	(tag) =	ssettag $0x0;
	lr =	simm.s32 $0x1  }
0x2: {  	[smem:$0x3F9F] =	sst lr;
	_ =	strace $0xD0000000  }
0x3: {  	_ = 	snop  }
0x4: {  	_ = 	snop  }
0x5: {  	_ = 	snop  }
0x6: {  	_ = 	snop  }
0x7: {  	_ = 	snop  }
__scs_overlays_trampoline_lowered:
0x8: {  	[smem:$0x3FAE] =	sst s0  }
0x9: {  	[smem:$0x3FAF] =	sst s1  }
0xa: {  	[smem:$0x3FB0] =	sst s2  }
0xb: {  	[smem:$0x3FB1] =	sst s3  }
0xc: {  	[smem:$0x3FB2] =	sst s4  }
0xd: {  	[smem:$0x3FB3] =	sst s5  }
0xe: {  	[smem:$0x3FB4] =	sst s6  }
0xf: {  	[smem:$0x3FB5] =	sst s7  }
0x10: {  	[smem:$0x3FB6] =	sst s8  }
0x11: {  	[smem:$0x3FB7] =	sst s9;
	s0 =	simm.s32 @!p0 $0x0  }
0x12: {  	s1 =	sld [smem:$0x3F9D];
	s0 =	simm.s32 @p0 $0x1  }
0x13: {  	[smem:$0x3FB8] =	sst s0;
	s0 =	simm.s32 @!p1 $0x0  }
0x14: {  	s2 =	sld [smem:$0x3F9C];
	s0 =	simm.s32 @p1 $0x1  }
0x15: {  	[smem:$0x3FB9] =	sst s0;
	s0 =	simm.s32 @!p2 $0x0  }
0x16: {  	s3 =	sld [smem:$0x3FDB];
	s0 =	simm.s32 @p2 $0x1  }
0x17: {  	s4 =	simm.s32 $0x1BF5;
	[smem:$0x3FBB] =	sst s0  }
0x18: {  	s0 =	sld [smem:$0x3F9E];
	_ =	swait.ge [sflag:s4], $0x0  }
0x19: {  	s7 =	sld [smem:$0x3F9F]  }
0x1a: {  	s8 =	sadd.s32 $0xFFFFE003, lr  }
0x1b: {  	s9 =	sadd.s32 $0xFFFFFEF7, lr;
	s5 =	simm.s32 $0xFFFFFFFF;
	p2 =	slt.u32 s8, $0xFFFFF086  }
0x1c: {  	p1 =	slt.u32 s9, $0xF7A;
	s5 =	simm.s32 @!p2 $0x0  }
0x1d: {  	s5 =	simm.s32 @p1 $0x1;
	p0 =	seq.s32 s7, s2  }
0x1e: {  	s7 =	smul.u32 @!p0 $0xF7A, s2;
	p2 =	seq.s32 @!p0 s5, $0x0  }
0x1f: {  	s9 =	smul.u32 $0xF7A, s1;
	s8 =	simm.s32 @!p0 $0x1BF5;
	p2 =	por !p2, p0  }
0x20: {  	[sflag:s8] =	ssyncset.s32 @!p0 $0xFFFFF086;
	s6 =	sadd.s32 @!p0 s3, s7;
	s7 =	simm.s32 @!p0 $0x108  }
0x21: {  	s3 =	sadd.s32 s3, s9;
	s6 =	sadd.s32 @!p0 $0x88, s6;
	s7 =	simm.s32 @p2 $0x1082  }
0x22: {  	[simem:s7], [sflag:s8] =	dma.local @!p0 [hbm:s6], $0xF7A  }
0x23: {  	s9 =	sor.u32 $0xD0000000, s2;
	s6 =	simm.s32 $0x108;
	_ =	swait.ge @!p0 [sflag:s8], $0x0  }
0x24: {  	s3 =	sadd.s32 $0x88, s3;
	s6 =	simm.s32 @!p1 $0x1082;
	[sflag:s4] =	ssyncset.s32 $0xFFFFF086  }
0x25: {  	[simem:s6], [sflag:s4] =	dma.local [hbm:s3], $0xF7A  }
0x26: {  	[smem:$0x3F9F] =	sst s1;
	(tag) =	ssettag s2;
	_ =	strace s9  }
0x27: {  	s1 =	sld [smem:$0x3FAF]  }
0x28: {  	s2 =	sld [smem:$0x3FB0]  }
0x29: {  	s4 =	sld [smem:$0x3FB2]  }
0x2a: {  	p0 =	seq.s32 s5, $0x0;
	s5 =	sld [smem:$0x3FB3]  }
0x2b: {  	s6 =	sld [smem:$0x3FB4]  }
0x2c: {  	s7 =	sld [smem:$0x3FB5]  }
0x2d: {  	s3 =	simm.s32 $0x108;
	s8 =	sld [smem:$0x3FB6]  }
0x2e: {  	s3 =	simm.s32 @!p0 $0x1082;
	s9 =	sld [smem:$0x3FB7]  }
0x2f: {  	lr =	sadd.s32 s0, s3;
	s0 =	sld [smem:$0x3FAE]  }
0x30: {  	s3 =	sld [smem:$0x3FB1]  }
0x31: {  	[smem:$0x3FBA] =	sst s10  }
0x32: {  	s10 =	sld [smem:$0x3FB8];
	_ =	sdelay $0x3  }
0x33: {  	p0 =	seq.s32 s10, $0x1;
	s10 =	sld [smem:$0x3FBA];
	_ =	sdelay $0x3  }
0x34: {  	[smem:$0x3FBA] =	sst s10  }
0x35: {  	s10 =	sld [smem:$0x3FB9];
	_ =	sdelay $0x3  }
0x36: {  	p1 =	seq.s32 s10, $0x1;
	s10 =	sld [smem:$0x3FBA];
	_ =	sdelay $0x3  }
0x37: {  	[smem:$0x3FBA] =	sst s10  }
0x38: {  	s10 =	sld [smem:$0x3FBB]  }
0x39: {  	_ = 	snop;
	(pc) =	sbr.ind lr, $3  }
0x3a: {  	_ = 	snop  }
0x3b: {  	_ = 	snop  }
0x3c: {  	p2 =	seq.s32 s10, $0x1;
	s10 =	sld [smem:$0x3FBA]  }
0x3d: {  	_ =	shalt  }
0x3e: {  	_ =	shalt  }
0x3f: {  	_ =	shalt  }
0x40: {  	_ =	shalt  }
0x41: {  	_ =	shalt  }
0x42: {  	_ =	shalt  }
0x43: {  	_ =	shalt  }
0x44: {  	_ =	shalt  }
0x45: {  	_ =	shalt  }
0x46: {  	_ =	shalt  }
0x47: {  	_ =	shalt  }
0x48: {  	_ =	shalt  }
0x49: {  	_ =	shalt  }
0x4a: {  	_ =	shalt  }
0x4b: {  	_ =	shalt  }
0x4c: {  	_ =	shalt  }
0x4d: {  	_ =	shalt  }
0x4e: {  	_ =	shalt  }
0x4f: {  	_ =	shalt  }
0x50: {  	_ =	shalt  }
0x51: {  	_ =	shalt  }
0x52: {  	_ =	shalt  }
0x53: {  	_ =	shalt  }
0x54: {  	_ =	shalt  }
0x55: {  	_ =	shalt  }
0x56: {  	_ =	shalt  }
0x57: {  	_ =	shalt  }
0x58: {  	_ =	shalt  }
0x59: {  	_ =	shalt  }
0x5a: {  	_ =	shalt  }
0x5b: {  	_ =	shalt  }
0x5c: {  	_ =	shalt  }
0x5d: {  	_ =	shalt  }
0x5e: {  	_ =	shalt  }
0x5f: {  	_ =	shalt  }
0x60: {  	_ =	shalt  }
0x61: {  	_ =	shalt  }
0x62: {  	_ =	shalt  }
0x63: {  	_ =	shalt  }
0x64: {  	_ =	shalt  }
0x65: {  	_ =	shalt  }
0x66: {  	_ =	shalt  }
0x67: {  	_ =	shalt  }
0x68: {  	_ =	shalt  }
0x69: {  	_ =	shalt  }
0x6a: {  	_ =	shalt  }
0x6b: {  	_ =	shalt  }
0x6c: {  	_ =	shalt  }
0x6d: {  	_ =	shalt  }
0x6e: {  	_ =	shalt  }
0x6f: {  	_ =	shalt  }
0x70: {  	_ =	shalt  }
0x71: {  	_ =	shalt  }
0x72: {  	_ =	shalt  }
0x73: {  	_ =	shalt  }
0x74: {  	_ =	shalt  }
0x75: {  	_ =	shalt  }
0x76: {  	_ =	shalt  }
0x77: {  	_ =	shalt  }
0x78: {  	_ =	shalt  }
0x79: {  	_ =	shalt  }
0x7a: {  	_ =	shalt  }
0x7b: {  	_ =	shalt  }
0x7c: {  	_ =	shalt  }
0x7d: {  	_ =	shalt  }
0x7e: {  	_ =	shalt  }
0x7f: {  	_ =	shalt  }
0x80: {  	_ =	shalt  }
0x81: {  	_ =	shalt  }
0x82: {  	_ =	shalt  }
0x83: {  	_ =	shalt  }
0x84: {  	_ =	shalt  }
0x85: {  	_ =	shalt  }
0x86: {  	_ =	shalt  }
0x87: {  	_ =	shalt  }
.Lfunc_end0:
.L_simem_size_0:
called_computation.1_lowered:
.L_overlay_start_0:
0x88: {  	s2 =	sld [smem:$0x3FD9]  }
0x89: {  	s3 =	sld [smem:$0x3FFE];
	_ =	sdelay $0x1  }
0x8a: {  	s1 =	srdreg.scid  }
0x8b: {  	s0 =	sand.u32 $0x1, s1  }
0x8c: {  	s17 =	sshll.u32 s0, $0xA;
	s2 =	sadd.s32 s3, s2  }
0x8d: {  	s2 =	sadd.s32 s2, s17  }
0x8e: {  	[smem:$0x3FC6] =	sst s2  }
0x8f: {  	_ = 	snop  }
0x90: {  	s2 =	sld [smem:$0x3FD0];
	(tm) =	ssettm $0x1  }
0x91: {  	s18 =	sld [smem:$0x3FFB];
	_ =	sdelay $0x3  }
0x92: {  	_ =	strace s18  }
0x93: {  	s3 =	sld [smem:$0x3FFC];
	_ =	sdelay $0x3  }
0x94: {  	_ =	strace s3  }
0x95: {  	s3 =	sld [smem:$0x3FFD];
	_ =	sdelay $0x3  }
0x96: {  	_ =	strace s3  }
0x97: {  	_ =	strace $0x8FFFFFFF  }
0x98: {  	s19 =	sld [smem:$0x3FDB];
	_ =	sdelay $0x1  }
0x99: {  	s4 =	simm.s32 $_scs_section_size  }
0x9a: {  	s5 =	simm.s32 $_size__tile_overlayer_lowered;
	s6 =	simm.s32 $_tile_overlayer_lowered  }
0x9b: {  	s22 =	simm.s32 $0x1BFF;
	s21 =	sshll.u32 s6, $0x1;
	s3 =	sadd.s32 s4, s19  }
0x9c: {  	s7 =	simm.s32 $0x0;
	s20 =	sshll.u32 s5, $0x1;
	s5 =	sadd.s32 s21, s3  }
0x9d: {  	[timem:s7], [sflag:s22] =	dma.local [hbm:s5], s20  }
0x9e: {  	_ =	swait.ge [sflag:s22], s20  }
0x9f: {  	s4 =	ssub.s32 $0x0, s20;
	[sflag:s22] =	ssyncset.done $0x0  }
0xa0: {  	[sflag:s22] =	ssyncadd.s32 s4;
	_ =	sdelay $0x1  }
0xa1: {  	s23 =	simm.s32 $0x1B8B  }
0xa2: {  	_ =	swait.ge [sflag:s23], $0x1  }
0xa3: {  	[sflag:s23] =	ssyncset.done $0x0  }
0xa4: {  	s25 =	simm.s32 $0x1B8E;
	s24 =	sld [smem:$0x3FFE];
	[sflag:s23] =	ssyncadd.s32 $0xFFFFFFFF  }
0xa5: {  	s26 =	simm.s32 $execute0_lowered;
	[smem:$0x3FD2] =	sst s25  }
0xa6: {  	s5 =	sshll.u32 s26, $0x1;
	_ =	strace $0x80000046;
	[dreg:$0x1] =	wrdreg $0xFFFFFFFF  }
0xa7: {  	s28 =	simm.s32 $_size_execute0_lowered;
	s3 =	sadd.s32 s3, s5;
	[dreg:$0x0] =	wrdreg $0x0  }
0xa8: {  	s5 =	sshll.u32 s28, $0x1;
	[dreg:$0x2] =	wrdreg s3  }
0xa9: {  	[dreg:$0x3] =	wrdreg s5  }
0xaa: {  	[dreg:$0x4] =	wrdreg $0xC0  }
0xab: {  	_ =	task [dreg:s7], $0x5FFFF  }
0xac: {  	[dreg:$0x1] =	wrdreg $0xFFFFFFFF  }
0xad: {  	[dreg:$0x0] =	wrdreg $0x60  }
0xae: {  	[dreg:$0x2] =	wrdreg s24  }
0xaf: {  	[dreg:$0x3] =	wrdreg s2  }
0xb0: {  	[dreg:$0x4] =	wrdreg $0x9  }
0xb1: {  	_ =	task.clear_ibuf [dreg:s7], $0x5FFFF;
	_ =	strace $0x90000046  }
0xb2: {  	s29 =	simm.s32 $0x9;
	_ =	strace $0x80000048  }
0xb3: {  	_ =	swait.ge [sflag:s29], $0x1  }
0xb4: {  	[sflag:s29] =	ssyncadd.s32 $0xFFFFFFFF  }
0xb5: {  	_ =	strace $0x90000048  }
0xb6: {  	_ =	sfence  }
0xb7: {  	s30 =	sld [smem:$0x0];
	_ =	sdelay $0x2  }
0xb8: {  	s31 =	sshll.u32 s1, $0xD;
	s1 =	sshrl.u32 s1, $0x2  }
0xb9: {  	s3 =	sand.u32 $0x4000, s31;
	s1 =	sadd.s32 s1, s30  }
0xba: {  	s0 =	sor.u32 s3, s0;
	s1 =	sshll.u32 s1, $0x11  }
0xbb: {  	s0 =	sor.u32 s1, s0  }
0xbc: {  	s0 =	sadd.s32 $0x8F2B, s0  }
0xbd: {  	[sflag:s0] =	ssyncadd.remote.s32 $0x1  }
0xbe: {  	_ =	sfence.sel $0xFFFF  }
0xbf: {  	[dreg:$0x0] =	wrdreg $0xFFFFFFFF;
	(pc) =	sbr.abs _section_cstart, $3  }
0xc0: {  	[dreg:$0x1] =	wrdreg $0xFFFFFFFF  }
0xc1: {  	_ =	task.clear_ibuf [dreg:s7], $0x2FFFF;
	_ =	strace $0x9FFFFFFF  }
0xc2: {  	(tm) =	ssettm $0x7FFFFFFF  }
0xc3: {  	_ =	shalt  }
tec
execute0_lowered:
.L_overlay_start_1:
0x0: {  	(tag) =	ssettag $0x1  }
0x1: {  	s0 =	srdreg.scid;
	s1 =	rddreg [dreg:$0x0]  }
0x2: {  	s8 =	stileid.u32;
	s7 =	rddreg [dreg:$0x1];
	s2 =	simm.s32 $0x0  }
0x3: {  	s11 =	simm.s32 $0x5;
	s12 =	simm.s32 $0x80;
	s13 =	simm.s32 $0x6400  }
0x4: {  	s14 =	simm.s32 $0x48;
	s15 =	simm.s32 $0x8400;
	s17 =	simm.s32 $0x9600  }
0x5: {  	s19 =	simm.s32 $0xB600;
	s21 =	simm.s32 $0xC800;
	s23 =	simm.s32 $0xE800  }
0x6: {  	s25 =	simm.s32 $0xFA00;
	s28 =	simm.s32 $0x11A00;
	s29 =	simm.s32 $0x1  }
0x7: {  	s30 =	simm.s32 $0x3;
	s18 =	simm.s32 $0x2;
	s20 =	simm.s32 $0x4  }
0x8: {  	s22 =	simm.s32 $0x6270;
	s24 =	simm.s32 $0x62F0;
	s0 =	sand.u32 $0x1, s0  }
0x9: {  	s3 =	sshll.u32 s8, $0x8;
	s8 =	smul.u32 $0x64000, s8;
	s4 =	sshll.u32 s0, $0x7  }
0xa: {  	s5 =	ssub.s32 $0x2, s0;
	s0 =	smul.u32 $0x32000, s0;
	s3 =	sor.u32 s4, s3  }
0xb: {  	[smem:$0x7FF] =	sst s2;
	s31 =	sadd.s32 s8, s7;
	s4 =	smul.u32 $0x19, s3  }
0xc: {  	_ =	strace $0x80000047;
	s6 =	smul.u32 $0x640, s3;
	s0 =	sadd.s32 s0, s31  }
0xd: {  	s26 =	sshrl.u32 s5, $0x1;
	s3 =	sadd.s32 $0xF42E00, s1;
	s10 =	sadd.s32 $0x1900, s0  }
0xe: {  	s4 =	sadd.s32 s4, s1;
	s1 =	ssub.s32 s5, s26;
	s6 =	sadd.s32 s7, s6  }
0xf: {  	s26 =	simm.s32 $0x0;
	s4 =	sadd.s32 $0xA00, s4;
	s5 =	smax.u32 s1, $0x1  }
0x10: {  	s7 =	sadd.s32 $0xC80, s6;
	s8 =	sadd.s32 $0x30700, s6;
	s9 =	sadd.s32 $0x31380, s6  }
.LBB2_1:
0x11: {  	[tilespmem:s2], [sflag:$0x5] =	stream.linear.gather [hbm4b:s4+s2], $0x6400, $0x38;
	[tilespmem:$0x12C00] =	vst v63  }
0x12: {  	_ =	swait.ge [sflag:s11], $0x6400  }
0x13: {  	[sflag:s11] =	ssyncset.done $0x0  }
0x14: {  	[sflag:s11] =	ssyncadd.s32 $0xFFFF9C00  }
0x15: {  	[tilespmem:s13], [sflag:$0x1] =	stream.indirect.gather [hbm4b:s3+s12], $0x40, s2, s12, $0xb8;
	[tilespmem:$0x12C00] =	vst v63  }
0x16: {  	_ = 	snop  }
0x17: {  	[tilespmem:s15], [sflag:$0x1] =	stream.indirect.gather [hbm4b:s3+s14], $0x40, s12, s14, $0xb8;
	[tilespmem:$0x12C00] =	vst v63  }
0x18: {  	s0 =	simm.s32 $0xC8  }
0x19: {  	[tilespmem:s17], [sflag:$0x1] =	stream.indirect.gather [hbm4b:s3+s12], $0x40, s0, s12, $0xb8;
	[tilespmem:$0x12C00] =	vst v63  }
0x1a: {  	s16 =	simm.s32 $0x148  }
0x1b: {  	[tilespmem:s19], [sflag:$0x1] =	stream.indirect.gather [hbm4b:s3+s14], $0x40, s16, s14, $0xb8;
	[tilespmem:$0x12C00] =	vst v63  }
0x1c: {  	s1 =	simm.s32 $0x190  }
0x1d: {  	[tilespmem:s21], [sflag:$0x2] =	stream.indirect.gather [hbm4b:s3+s12], $0x40, s1, s12, $0xb8;
	[tilespmem:$0x12C00] =	vst v63  }
0x1e: {  	s16 =	simm.s32 $0x210  }
0x1f: {  	[tilespmem:s23], [sflag:$0x2] =	stream.indirect.gather [hbm4b:s3+s14], $0x40, s16, s14, $0xb8;
	[tilespmem:$0x12C00] =	vst v63  }
0x20: {  	s1 =	simm.s32 $0x258  }
0x21: {  	[tilespmem:s25], [sflag:$0x2] =	stream.indirect.gather [hbm4b:s3+s12], $0x40, s1, s12, $0xb8;
	[tilespmem:$0x12C00] =	vst v63  }
0x22: {  	s16 =	simm.s32 $0x2D8  }
0x23: {  	[tilespmem:s28], [sflag:$0x2] =	stream.indirect.gather [hbm4b:s3+s14], $0x40, s16, s14, $0xb8;
	[tilespmem:$0x12C00] =	vst v63  }
0x24: {  	_ =	swait.ge [sflag:s29], $0x2000  }
0x25: {  	[sflag:s29] =	ssyncset.done $0x0  }
0x26: {  	[sflag:s29] =	ssyncadd.s32 $0xFFFFE000  }
0x27: {  	_ =	swait.ge [sflag:s29], $0x1200  }
0x28: {  	[sflag:s29] =	ssyncset.done $0x0  }
0x29: {  	[sflag:s29] =	ssyncadd.s32 $0xFFFFEE00  }
0x2a: {  	_ =	swait.ge [sflag:s29], $0x2000  }
0x2b: {  	[sflag:s29] =	ssyncset.done $0x0  }
0x2c: {  	[sflag:s29] =	ssyncadd.s32 $0xFFFFE000  }
0x2d: {  	_ =	swait.ge [sflag:s29], $0x1200  }
0x2e: {  	[sflag:s29] =	ssyncset.done $0x0  }
0x2f: {  	[sflag:s29] =	ssyncadd.s32 $0xFFFFEE00  }
0x30: {  	[hbm4b:s6+s2] =	stream.linear.scatter [tilespmem:s13], [sflag:$0x3], $0x6400, $0x38;
	[tilespmem:$0x12C00] =	vst v63  }
0x31: {  	_ =	swait.ge [sflag:s30], $0x6400  }
0x32: {  	[sflag:s30] =	ssyncset.done $0x0  }
0x33: {  	s1 =	simm.s32 $0x320;
	[sflag:s30] =	ssyncadd.s32 $0xFFFF9C00  }
0x34: {  	[tilespmem:s13], [sflag:$0x1] =	stream.indirect.gather [hbm4b:s3+s12], $0x40, s1, s12, $0xb8;
	[tilespmem:$0x12C00] =	vst v63  }
0x35: {  	s16 =	simm.s32 $0x3A0  }
0x36: {  	[tilespmem:s15], [sflag:$0x1] =	stream.indirect.gather [hbm4b:s3+s14], $0x40, s16, s14, $0xb8;
	[tilespmem:$0x12C00] =	vst v63  }
0x37: {  	s1 =	simm.s32 $0x3E8  }
0x38: {  	[tilespmem:s17], [sflag:$0x1] =	stream.indirect.gather [hbm4b:s3+s12], $0x40, s1, s12, $0xb8;
	[tilespmem:$0x12C00] =	vst v63  }
0x39: {  	s16 =	simm.s32 $0x468  }
0x3a: {  	[tilespmem:s19], [sflag:$0x1] =	stream.indirect.gather [hbm4b:s3+s14], $0x40, s16, s14, $0xb8;
	[tilespmem:$0x12C00] =	vst v63  }
0x3b: {  	_ =	swait.ge [sflag:s18], $0x2000  }
0x3c: {  	[sflag:s18] =	ssyncset.done $0x0  }
0x3d: {  	[sflag:s18] =	ssyncadd.s32 $0xFFFFE000  }
0x3e: {  	_ =	swait.ge [sflag:s18], $0x1200  }
0x3f: {  	[sflag:s18] =	ssyncset.done $0x0  }
0x40: {  	[sflag:s18] =	ssyncadd.s32 $0xFFFFEE00  }
0x41: {  	_ =	swait.ge [sflag:s18], $0x2000  }
0x42: {  	[sflag:s18] =	ssyncset.done $0x0  }
0x43: {  	[sflag:s18] =	ssyncadd.s32 $0xFFFFE000  }
0x44: {  	_ =	swait.ge [sflag:s18], $0x1200  }
0x45: {  	[sflag:s18] =	ssyncset.done $0x0  }
0x46: {  	[sflag:s18] =	ssyncadd.s32 $0xFFFFEE00  }
0x47: {  	[hbm4b:s7+s2] =	stream.linear.scatter [tilespmem:s21], [sflag:$0x4], $0x6400, $0x38;
	[tilespmem:$0x12C00] =	vst v63  }
0x48: {  	_ =	swait.ge [sflag:s20], $0x6400  }
0x49: {  	[sflag:s20] =	ssyncset.done $0x0  }
0x4a: {  	s1 =	simm.s32 $0x4B0;
	[sflag:s20] =	ssyncadd.s32 $0xFFFF9C00  }
0x4b: {  	[tilespmem:s21], [sflag:$0x2] =	stream.indirect.gather [hbm4b:s3+s12], $0x40, s1, s12, $0xb8;
	[tilespmem:$0x12C00] =	vst v63  }
0x4c: {  	s16 =	simm.s32 $0x530  }
0x4d: {  	[tilespmem:s23], [sflag:$0x2] =	stream.indirect.gather [hbm4b:s3+s14], $0x40, s16, s14, $0xb8;
	[tilespmem:$0x12C00] =	vst v63  }
0x4e: {  	s1 =	simm.s32 $0x578  }
0x4f: {  	[tilespmem:s25], [sflag:$0x2] =	stream.indirect.gather [hbm4b:s3+s12], $0x40, s1, s12, $0xb8;
	[tilespmem:$0x12C00] =	vst v63  }
0x50: {  	s16 =	simm.s32 $0x5F8  }
0x51: {  	[tilespmem:s28], [sflag:$0x2] =	stream.indirect.gather [hbm4b:s3+s14], $0x40, s16, s14, $0xb8;
	[tilespmem:$0x12C00] =	vst v63  }
0x52: {  	_ =	swait.ge [sflag:s29], $0x2000  }
0x53: {  	[sflag:s29] =	ssyncset.done $0x0  }
0x54: {  	[sflag:s29] =	ssyncadd.s32 $0xFFFFE000  }
0x55: {  	_ =	swait.ge [sflag:s29], $0x1200  }
0x56: {  	[sflag:s29] =	ssyncset.done $0x0  }
0x57: {  	[sflag:s29] =	ssyncadd.s32 $0xFFFFEE00  }
0x58: {  	_ =	swait.ge [sflag:s29], $0x2000  }
0x59: {  	[sflag:s29] =	ssyncset.done $0x0  }
0x5a: {  	[sflag:s29] =	ssyncadd.s32 $0xFFFFE000  }
0x5b: {  	_ =	swait.ge [sflag:s29], $0x1200  }
0x5c: {  	[sflag:s29] =	ssyncset.done $0x0  }
0x5d: {  	[sflag:s29] =	ssyncadd.s32 $0xFFFFEE00  }
0x5e: {  	[hbm4b:s10+s2] =	stream.linear.scatter [tilespmem:s13], [sflag:$0x3], $0x6400, $0x38;
	[tilespmem:$0x12C00] =	vst v63  }
0x5f: {  	_ =	swait.ge [sflag:s30], $0x6400  }
0x60: {  	[sflag:s30] =	ssyncset.done $0x0  }
0x61: {  	s1 =	simm.s32 $0x640;
	[sflag:s30] =	ssyncadd.s32 $0xFFFF9C00  }
0x62: {  	[tilespmem:s13], [sflag:$0x1] =	stream.indirect.gather [hbm4b:s3+s12], $0x40, s1, s12, $0xb8;
	[tilespmem:$0x12C00] =	vst v63  }
0x63: {  	s16 =	simm.s32 $0x6C0  }
0x64: {  	[tilespmem:s15], [sflag:$0x1] =	stream.indirect.gather [hbm4b:s3+s14], $0x40, s16, s14, $0xb8;
	[tilespmem:$0x12C00] =	vst v63  }
0x65: {  	s1 =	simm.s32 $0x708  }
0x66: {  	[tilespmem:s17], [sflag:$0x1] =	stream.indirect.gather [hbm4b:s3+s12], $0x40, s1, s12, $0xb8;
	[tilespmem:$0x12C00] =	vst v63  }
0x67: {  	s16 =	simm.s32 $0x788  }
0x68: {  	[tilespmem:s19], [sflag:$0x1] =	stream.indirect.gather [hbm4b:s3+s14], $0x40, s16, s14, $0xb8;
	[tilespmem:$0x12C00] =	vst v63  }
0x69: {  	_ =	swait.ge [sflag:s18], $0x2000  }
0x6a: {  	[sflag:s18] =	ssyncset.done $0x0  }
0x6b: {  	[sflag:s18] =	ssyncadd.s32 $0xFFFFE000  }
0x6c: {  	_ =	swait.ge [sflag:s18], $0x1200  }
0x6d: {  	[sflag:s18] =	ssyncset.done $0x0  }
0x6e: {  	[sflag:s18] =	ssyncadd.s32 $0xFFFFEE00  }
0x6f: {  	_ =	swait.ge [sflag:s18], $0x2000  }
0x70: {  	[sflag:s18] =	ssyncset.done $0x0  }
0x71: {  	[sflag:s18] =	ssyncadd.s32 $0xFFFFE000  }
0x72: {  	_ =	swait.ge [sflag:s18], $0x1200  }
0x73: {  	s31 =	simm.s32 $0xC80;
	[sflag:s18] =	ssyncset.done $0x0  }
0x74: {  	s0 =	sadd.s32 $0xC80, s10;
	s1 =	sadd.s32 $0x1900, s10;
	[sflag:s18] =	ssyncadd.s32 $0xFFFFEE00  }
.LBB2_2:
0x75: {  	[hbm4b:s0+s2] =	stream.linear.scatter [tilespmem:s21], [sflag:$0x4], $0x6400, $0x38;
	[tilespmem:$0x12C00] =	vst v63  }
0x76: {  	s0 =	smov.u32 s31;
	s31 =	sadd.s32 $0xC80, s31;
	_ =	swait.ge [sflag:s20], $0x6400  }
0x77: {  	s0 =	sshra.s32 s0, $0x2;
	p0 =	sne.s32 s31, $0x17700;
	[sflag:s20] =	ssyncset.done $0x0  }
0x78: {  	s16 =	sadd.s32 $0x4B0, s0;
	[sflag:s20] =	ssyncadd.s32 $0xFFFF9C00  }
0x79: {  	[tilespmem:s21], [sflag:$0x2] =	stream.indirect.gather [hbm4b:s3+s12], $0x40, s16, s12, $0xb8;
	[tilespmem:$0x12C00] =	vst v63  }
0x7a: {  	s16 =	sadd.s32 $0x530, s0  }
0x7b: {  	[tilespmem:s23], [sflag:$0x2] =	stream.indirect.gather [hbm4b:s3+s14], $0x40, s16, s14, $0xb8;
	[tilespmem:$0x12C00] =	vst v63  }
0x7c: {  	s16 =	sadd.s32 $0x578, s0  }
0x7d: {  	[tilespmem:s25], [sflag:$0x2] =	stream.indirect.gather [hbm4b:s3+s12], $0x40, s16, s12, $0xb8;
	[tilespmem:$0x12C00] =	vst v63  }
0x7e: {  	s16 =	sadd.s32 $0x5F8, s0  }
0x7f: {  	[tilespmem:s28], [sflag:$0x2] =	stream.indirect.gather [hbm4b:s3+s14], $0x40, s16, s14, $0xb8;
	[tilespmem:$0x12C00] =	vst v63  }
0x80: {  	_ =	swait.ge [sflag:s29], $0x2000  }
0x81: {  	[sflag:s29] =	ssyncset.done $0x0  }
0x82: {  	[sflag:s29] =	ssyncadd.s32 $0xFFFFE000  }
0x83: {  	_ =	swait.ge [sflag:s29], $0x1200  }
0x84: {  	[sflag:s29] =	ssyncset.done $0x0  }
0x85: {  	[sflag:s29] =	ssyncadd.s32 $0xFFFFEE00  }
0x86: {  	_ =	swait.ge [sflag:s29], $0x2000  }
0x87: {  	[sflag:s29] =	ssyncset.done $0x0  }
0x88: {  	[sflag:s29] =	ssyncadd.s32 $0xFFFFE000  }
0x89: {  	_ =	swait.ge [sflag:s29], $0x1200  }
0x8a: {  	[sflag:s29] =	ssyncset.done $0x0  }
0x8b: {  	[sflag:s29] =	ssyncadd.s32 $0xFFFFEE00  }
0x8c: {  	[hbm4b:s1+s2] =	stream.linear.scatter [tilespmem:s13], [sflag:$0x3], $0x6400, $0x38;
	[tilespmem:$0x12C00] =	vst v63  }
0x8d: {  	_ =	swait.ge [sflag:s30], $0x6400  }
0x8e: {  	[sflag:s30] =	ssyncset.done $0x0  }
0x8f: {  	s16 =	sadd.s32 $0x640, s0;
	[sflag:s30] =	ssyncadd.s32 $0xFFFF9C00  }
0x90: {  	[tilespmem:s13], [sflag:$0x1] =	stream.indirect.gather [hbm4b:s3+s12], $0x40, s16, s12, $0xb8;
	[tilespmem:$0x12C00] =	vst v63  }
0x91: {  	s16 =	sadd.s32 $0x6C0, s0  }
0x92: {  	[tilespmem:s15], [sflag:$0x1] =	stream.indirect.gather [hbm4b:s3+s14], $0x40, s16, s14, $0xb8;
	[tilespmem:$0x12C00] =	vst v63  }
0x93: {  	s16 =	sadd.s32 $0x708, s0  }
0x94: {  	[tilespmem:s17], [sflag:$0x1] =	stream.indirect.gather [hbm4b:s3+s12], $0x40, s16, s12, $0xb8;
	[tilespmem:$0x12C00] =	vst v63  }
0x95: {  	s0 =	sadd.s32 $0x788, s0  }
0x96: {  	[tilespmem:s19], [sflag:$0x1] =	stream.indirect.gather [hbm4b:s3+s14], $0x40, s0, s14, $0xb8;
	[tilespmem:$0x12C00] =	vst v63  }
0x97: {  	_ =	swait.ge [sflag:s18], $0x2000  }
0x98: {  	[sflag:s18] =	ssyncset.done $0x0  }
0x99: {  	[sflag:s18] =	ssyncadd.s32 $0xFFFFE000  }
0x9a: {  	_ =	swait.ge [sflag:s18], $0x1200  }
0x9b: {  	[sflag:s18] =	ssyncset.done $0x0  }
0x9c: {  	[sflag:s18] =	ssyncadd.s32 $0xFFFFEE00  }
0x9d: {  	_ =	swait.ge [sflag:s18], $0x2000  }
.Ltmp0:
0x9e: {  	[sflag:s18] =	ssyncset.done $0x0;
	(pc) =	sbr.rel @p0 .LBB2_2-.Ltmp0, $4  }
0x9f: {  	[sflag:s18] =	ssyncadd.s32 $0xFFFFE000  }
0xa0: {  	_ =	swait.ge [sflag:s18], $0x1200  }
0xa1: {  	[sflag:s18] =	ssyncset.done $0x0  }
0xa2: {  	s0 =	sadd.s32 $0xC80, s1;
	s1 =	sadd.s32 $0x1900, s1;
	[sflag:s18] =	ssyncadd.s32 $0xFFFFEE00  }
0xa3: {  	[hbm4b:s0+s2] =	stream.linear.scatter [tilespmem:s21], [sflag:$0x4], $0x6400, $0x38;
	[tilespmem:$0x12C00] =	vst v63  }
0xa4: {  	_ =	swait.ge [sflag:s20], $0x6400  }
0xa5: {  	[sflag:s20] =	ssyncset.done $0x0  }
0xa6: {  	[sflag:s20] =	ssyncadd.s32 $0xFFFF9C00  }
0xa7: {  	[tilespmem:s21], [sflag:$0x2] =	stream.indirect.gather [hbm4b:s3+s12], $0x40, s22, s12, $0xb8;
	[tilespmem:$0x12C00] =	vst v63  }
0xa8: {  	s31 =	sshra.s32 s31, $0x2  }
0xa9: {  	[tilespmem:s23], [sflag:$0x2] =	stream.indirect.gather [hbm4b:s3+s14], $0x40, s24, s14, $0xb8;
	[tilespmem:$0x12C00] =	vst v63  }
0xaa: {  	s1 =	sadd.s32 $0x578, s31  }
0xab: {  	[tilespmem:s25], [sflag:$0x2] =	stream.indirect.gather [hbm4b:s3+s12], $0x40, s1, s12, $0xb8;
	[tilespmem:$0x12C00] =	vst v63  }
0xac: {  	s0 =	sadd.s32 $0x5F8, s31  }
0xad: {  	[tilespmem:s28], [sflag:$0x2] =	stream.indirect.gather [hbm4b:s3+s14], $0x40, s0, s14, $0xb8;
	[tilespmem:$0x12C00] =	vst v63  }
0xae: {  	_ =	swait.ge [sflag:s29], $0x2000  }
0xaf: {  	[sflag:s29] =	ssyncset.done $0x0  }
0xb0: {  	[sflag:s29] =	ssyncadd.s32 $0xFFFFE000  }
0xb1: {  	_ =	swait.ge [sflag:s29], $0x1200  }
0xb2: {  	[sflag:s29] =	ssyncset.done $0x0  }
0xb3: {  	[sflag:s29] =	ssyncadd.s32 $0xFFFFEE00  }
0xb4: {  	_ =	swait.ge [sflag:s29], $0x2000  }
0xb5: {  	[sflag:s29] =	ssyncset.done $0x0  }
0xb6: {  	[sflag:s29] =	ssyncadd.s32 $0xFFFFE000  }
0xb7: {  	_ =	swait.ge [sflag:s29], $0x1200  }
0xb8: {  	[sflag:s29] =	ssyncset.done $0x0  }
0xb9: {  	[sflag:s29] =	ssyncadd.s32 $0xFFFFEE00  }
0xba: {  	[hbm4b:s8+s2] =	stream.linear.scatter [tilespmem:s13], [sflag:$0x3], $0x6400, $0x38;
	[tilespmem:$0x12C00] =	vst v63  }
0xbb: {  	_ =	swait.ge [sflag:s18], $0x2000  }
0xbc: {  	[sflag:s18] =	ssyncset.done $0x0  }
0xbd: {  	[sflag:s18] =	ssyncadd.s32 $0xFFFFE000  }
0xbe: {  	_ =	swait.ge [sflag:s18], $0x1200  }
0xbf: {  	[sflag:s18] =	ssyncset.done $0x0  }
0xc0: {  	[sflag:s18] =	ssyncadd.s32 $0xFFFFEE00  }
0xc1: {  	_ =	swait.ge [sflag:s18], $0x2000  }
0xc2: {  	[sflag:s18] =	ssyncset.done $0x0  }
0xc3: {  	[sflag:s18] =	ssyncadd.s32 $0xFFFFE000  }
0xc4: {  	_ =	swait.ge [sflag:s18], $0x1200  }
0xc5: {  	[sflag:s18] =	ssyncset.done $0x0  }
0xc6: {  	s26 =	sadd.s32 $0x1, s26;
	[sflag:s18] =	ssyncadd.s32 $0xFFFFEE00  }
0xc7: {  	[hbm4b:s9+s2] =	stream.linear.scatter [tilespmem:s21], [sflag:$0x4], $0x6400, $0x38;
	[tilespmem:$0x12C00] =	vst v63  }
0xc8: {  	p0 =	sne.s32 s26, s5;
	_ =	swait.ge [sflag:s30], $0x6400  }
.Ltmp1:
0xc9: {  	[sflag:s30] =	ssyncset.done $0x0;
	(pc) =	sbr.rel @p0 .LBB2_1-.Ltmp1, $4  }
0xca: {  	[sflag:s30] =	ssyncadd.s32 $0xFFFF9C00  }
0xcb: {  	_ =	swait.ge [sflag:s20], $0x6400  }
0xcc: {  	[sflag:s20] =	ssyncset.done $0x0  }
0xcd: {  	[sflag:s20] =	ssyncadd.s32 $0xFFFF9C00  }
0xce: {  	_ =	sfence.sel $0x180000  }
0xcf: {  	[bflag:$0x0] =	sbarrier.arrive $0xFFFF  }
0xd0: {  	_ =	strace $0x90000047  }
0xd1: {  	s0 =	stileid.u32;
	[bflag:$0x2] =	sbarrier.arrive $0xFFFF  }
0xd2: {  	p0 =	sne.s32 s0, $0x0;
	s0 =	rddreg [dreg:$0x2]  }
0xd3: {  	s0 =	sadd.s32 @!p0 $0x100000, s0  }
0xd4: {  	[sflag:s0] =	ssyncadd.tile.s32 @!p0 $0x1;
	_ =	shalt  }
.Lfunc_end2:
_tile_overlayer_lowered:
.L_overlay_start_2:
0xd5: {  	(tag) =	ssettag $0x2  }
0xd6: {  	s0 =	rddreg [dreg:$0x0];
	s2 =	stileid.u32  }
0xd7: {  	s1 =	rddreg [dreg:$0x1];
	p0 =	sne.s32 s2, $0x0  }
0xd8: {  	s3 =	rddreg [dreg:$0x2];
	[bflag:$0x3] =	sbarrier.arrive $0xFFFF;
	s2 =	simm.s32 @!p0 $0x1C05  }
0xd9: {  	[timem:s3], [sflag:s2] =	dma.local @!p0 [hbm:s0], s1  }
0xda: {  	s0 =	simm.s32 @!p0 $0x5  }
0xdb: {  	_ =	swait.ge @!p0 [sflag:s0], s1  }
0xdc: {  	s1 =	ssub.s32 @!p0 $0x0, s1;
	[sflag:s0] =	ssyncset.done @!p0 $0x0  }
0xdd: {  	[sflag:s0] =	ssyncadd.s32 @!p0 s1  }
0xde: {  	[bflag:$0x3] =	sbarrier.arrive $0xFFFF  }
0xdf: {  	_ =	shalt  }

// kernel: sparse-core-data-format-call.cloned.1.call-start
scs
called_computation_lowered:
.L_overlay_start_0:
0x0: {  	s2 =	sld [smem:$0x3FD9]  }
0x1: {  	s3 =	sld [smem:$0x3FFE];
	_ =	sdelay $0x1  }
0x2: {  	s1 =	srdreg.scid  }
0x3: {  	s0 =	sand.u32 $0x1, s1  }
0x4: {  	s18 =	sshll.u32 s0, $0xA;
	s2 =	sadd.s32 s3, s2  }
0x5: {  	s2 =	sadd.s32 s2, s18  }
0x6: {  	[smem:$0x3FC6] =	sst s2  }
0x7: {  	_ = 	snop  }
0x8: {  	s2 =	sld [smem:$0x3FD0];
	(tm) =	ssettm $0x1  }
0x9: {  	s19 =	sld [smem:$0x3FFB];
	_ =	sdelay $0x3  }
0xa: {  	_ =	strace s19  }
0xb: {  	s3 =	sld [smem:$0x3FFC];
	_ =	sdelay $0x3  }
0xc: {  	_ =	strace s3  }
0xd: {  	s3 =	sld [smem:$0x3FFD];
	_ =	sdelay $0x3  }
0xe: {  	_ =	strace s3  }
0xf: {  	_ =	strace $0x8FFFFFFF  }
0x10: {  	s20 =	sld [smem:$0x3FDB];
	_ =	sdelay $0x1  }
0x11: {  	s4 =	simm.s32 $_scs_section_size  }
0x12: {  	s5 =	simm.s32 $_size__tile_overlayer_lowered;
	s6 =	simm.s32 $_tile_overlayer_lowered  }
0x13: {  	s23 =	simm.s32 $0x1BFF;
	s22 =	sshll.u32 s6, $0x1;
	s3 =	sadd.s32 s4, s20  }
0x14: {  	s7 =	simm.s32 $0x0;
	s21 =	sshll.u32 s5, $0x1;
	s5 =	sadd.s32 s22, s3  }
0x15: {  	[timem:s7], [sflag:s23] =	dma.local [hbm:s5], s21  }
0x16: {  	_ =	swait.ge [sflag:s23], s21  }
0x17: {  	s4 =	ssub.s32 $0x0, s21;
	[sflag:s23] =	ssyncset.done $0x0  }
0x18: {  	[sflag:s23] =	ssyncadd.s32 s4;
	_ =	sdelay $0x1  }
0x19: {  	s24 =	simm.s32 $0x1B8B  }
0x1a: {  	_ =	swait.ge [sflag:s24], $0x1  }
0x1b: {  	[sflag:s24] =	ssyncset.done $0x0  }
0x1c: {  	s26 =	simm.s32 $0x1B8E;
	s25 =	sld [smem:$0x3FFE];
	[sflag:s24] =	ssyncadd.s32 $0xFFFFFFFF  }
0x1d: {  	s27 =	simm.s32 $execute0_lowered;
	[smem:$0x3FD2] =	sst s26  }
0x1e: {  	s5 =	sshll.u32 s27, $0x1;
	_ =	strace $0x80000049;
	[dreg:$0x1] =	wrdreg $0xFFFFFFFF  }
0x1f: {  	s28 =	simm.s32 $_size_execute0_lowered;
	s3 =	sadd.s32 s3, s5;
	[dreg:$0x0] =	wrdreg $0x0  }
0x20: {  	s5 =	sshll.u32 s28, $0x1;
	[dreg:$0x2] =	wrdreg s3  }
0x21: {  	[dreg:$0x3] =	wrdreg s5  }
0x22: {  	[dreg:$0x4] =	wrdreg $0xC0  }
0x23: {  	_ =	task [dreg:s7], $0x5FFFF  }
0x24: {  	[dreg:$0x1] =	wrdreg $0xFFFFFFFF  }
0x25: {  	[dreg:$0x0] =	wrdreg $0x60  }
0x26: {  	[dreg:$0x2] =	wrdreg s25  }
0x27: {  	[dreg:$0x3] =	wrdreg s2  }
0x28: {  	[dreg:$0x4] =	wrdreg $0x9  }
0x29: {  	_ =	task.clear_ibuf [dreg:s7], $0x5FFFF;
	_ =	strace $0x90000049  }
0x2a: {  	s29 =	simm.s32 $0x9;
	_ =	strace $0x8000004B  }
0x2b: {  	_ =	swait.ge [sflag:s29], $0x1  }
0x2c: {  	[sflag:s29] =	ssyncadd.s32 $0xFFFFFFFF  }
0x2d: {  	_ =	strace $0x9000004B  }
0x2e: {  	_ =	sfence  }
0x2f: {  	s30 =	sld [smem:$0x0];
	_ =	sdelay $0x2  }
0x30: {  	s31 =	sshll.u32 s1, $0xD;
	s1 =	sshrl.u32 s1, $0x2  }
0x31: {  	s3 =	sand.u32 $0x4000, s31;
	s1 =	sadd.s32 s1, s30  }
0x32: {  	s0 =	sor.u32 s3, s0;
	s1 =	sshll.u32 s1, $0x11  }
0x33: {  	s0 =	sor.u32 s1, s0  }
0x34: {  	s0 =	sadd.s32 $0x8F2B, s0  }
0x35: {  	[sflag:s0] =	ssyncadd.remote.s32 $0x1  }
0x36: {  	_ =	sfence.sel $0xFFFF  }
0x37: {  	[dreg:$0x0] =	wrdreg $0xFFFFFFFF;
	(pc) =	sbr.abs _section_cstart, $3  }
0x38: {  	[dreg:$0x1] =	wrdreg $0xFFFFFFFF  }
0x39: {  	_ =	task.clear_ibuf [dreg:s7], $0x2FFFF;
	_ =	strace $0x9FFFFFFF  }
0x3a: {  	(tm) =	ssettm $0x7FFFFFFF  }
0x3b: {  	_ =	shalt  }
tec
execute0_lowered:
.L_overlay_start_1:
0x0: {  	(tag) =	ssettag $0x1  }
0x1: {  	s0 =	srdreg.scid  }
0x2: {  	s1 =	sshll.u32 s0, $0x4  }
0x3: {  	s0 =	stileid.u32;
	s1 =	sand.u32 $0x10, s1  }
0x4: {  	s1 =	sor.u32 s0, s1  }
0x5: {  	s6 =	rddreg [dreg:$0x0];
	s4 =	simm.s32 $0x1;
	s2 =	sshll.u32 s1, $0x7  }
0x6: {  	s7 =	simm.s32 $0x2;
	s12 =	simm.s32 $0x0;
	s1 =	ssub.s32 $0x1000, s2  }
0x7: {  	s8 =	simm.s32 $0x8000;
	s13 =	simm.s32 $0x0;
	s3 =	sand.u32 $0xF80, s1  }
0x8: {  	s9 =	simm.s32 $0x0;
	s5 =	sshrl.u32 s1, $0xC;
	p0 =	sne.s32 s3, $0x0  }
.Ltmp0:
0x9: {  	s1 =	rddreg [dreg:$0x2];
	s4 =	simm.s32 @!p0 $0x0;
	(pc) =	sbr.rel .LBB1_1-.Ltmp0, $4  }
0xa: {  	s11 =	simm.s32 $0x0;
	s3 =	rddreg [dreg:$0x1];
	s5 =	sadd.s32 s4, s5  }
0xb: {  	_ =	strace $0x8000004A;
	s4 =	simm.s32 $0x1;
	s5 =	smul.u32 $0xC8, s5  }
0xc: {  	s6 =	sadd.s32 $0xA00, s6;
	s10 =	smov.u32 s2;
	[sflag:s4] =	ssyncpa.u1 $0x0  }
0xd: {  	p0 =	por $0x0, $0x0;
	[sflag:s7] =	ssyncpa.u1 $0x0;
	s7 =	sor.u32 $0x1, s5  }
.LBB1_4:
0xe: {  	s16 =	sshll.u32 s13, $0x3;
	s17 =	sand.u32 $0x78, s13  }
0xf: {  	s30 =	sand.u32 $0x7E00, s13;
	s12 =	sshll.u32 s12, $0xF;
	s16 =	sand.u32 $0xC00, s16  }
0x10: {  	[tilespmem:s15+$0x810 ss:$0x81] =	vst.msk $0xffff, v2;
	s31 =	sand.u32 $0x7, s13;
	s16 =	sor.u32 s17, s16;
	s17 =	sadd.s32 s3, s30  }
0x11: {  	[tilespmem:s15+$0x1020 ss:$0x81] =	vst.msk $0xffff, v0;
	s13 =	sshll.u32 s31, $0x12;
	s12 =	sadd.s32 s12, s17;
	s16 =	sshrl.u32 s16, $0x3  }
0x12: {  	[tilespmem:s15+$0x0 ss:$0x81] =	vst.msk $0xffff, v1;
	s13 =	sor.u32 $0x400, s13;
	s12 =	sadd.s32 s16, s12  }
0x13: {  	[hbm4b:s12+s13] =	stream.strided.scatter [tilespmem:s14], [sflag:$0x2], $0x2000, s8, s13, $0x20;
	[tilespmem:$0x8080] =	vst v63  }
.LBB1_5:
0x14: {  	s14 =	sadd.s32 $0x1, s9  }
0x15: {  	s12 =	sadd.s32 $0x1000, s10;
	s16 =	smov.u32 s10;
	p2 =	sgt.s32 s14, $0xC7  }
0x16: {  	s16 =	smov.u32 @p2 s12  }
0x17: {  	s14 =	simm.s32 @p2 $0x0;
	p2 =	sgt.s32 s16, $0xFFF  }
0x18: {  	s16 =	smov.u32 @p2 s2;
	p2 =	sne.s32 s11, s7  }
.Ltmp1:
0x19: {  	p1 =	slt.u32 s11, $0x2;
	(pc) =	sbr.rel @!p2 .LBB1_6-.Ltmp1, $4  }
0x1a: {  	s15 =	simm.s32 @!p1 $0x2  }
0x1b: {  	s13 =	smov.u32 s10;
	p0 =	por !p0, !p0;
	_ =	swait.ge @!p1 [sflag:s15], $0x2000  }
0x1c: {  	s12 =	smov.u32 s9;
	[sflag:s15] =	ssyncset.done @!p1 $0x0;
	s9 =	smov.u32 s14  }
0x1d: {  	s11 =	sadd.s32 $0x1, s11;
	[sflag:s15] =	ssyncadd.s32 @!p1 $0xFFFFE000;
	s10 =	smov.u32 s16  }
.LBB1_1:
0x1e: {  	p1 =	sge.u32 s11, s5  }
0x1f: {  	s14 =	sand.u32 @!p1 $0x1FFFFFF, s9  }
0x20: {  	s15 =	smulhi.u32 @!p1 $0x147AE15, s14;
	_ =	sdelay $0x1  }
0x21: {  	s15 =	smul.u32 @!p1 $0xC8, s15  }
0x22: {  	s16 =	sxor.u32 @!p1 $0xFFFFFFFF, s11;
	s17 =	smul.u32 @!p1 $0xC80, s10  }
0x23: {  	s31 =	sadd.s32 $0xFFFFFFFF, s11;
	s16 =	sshll.u32 @!p1 s16, $0xD;
	s14 =	ssub.s32 @!p1 s14, s15  }
0x24: {  	s15 =	sand.u32 @!p1 $0x2000, s16;
	s16 =	sadd.s32 @!p1 s6, s17;
	s14 =	sshll.u32 @!p1 s14, $0x4  }
0x25: {  	s17 =	simm.s32 @!p1 $0x6400;
	s14 =	sadd.s32 @!p1 s14, s16;
	s16 =	simm.s32 @!p1 $0x40  }
0x26: {  	[tilespmem:s15], [sflag:$0x1] =	stream.strided.gather @!p1 [hbm4b:s14+s16], $0x2000, s17, s16, $0x38;
	[tilespmem:$0x8080] =	vst v63  }
0x27: {  	p1 =	sge.u32 s31, s5  }
.Ltmp2:
0x28: {  	_ = 	snop;
	(pc) =	sbr.rel @p1 .LBB1_5-.Ltmp2, $1  }
0x29: {  	_ =	sdelay $0x3  }
0x2a: {  	s14 =	simm.s32 $0x1  }
0x2b: {  	_ =	swait.ge [sflag:s4], $0x2000;
	s14 =	simm.s32 @!p0 $0x0  }
0x2c: {  	[sflag:s4] =	ssyncset.done $0x0;
	s15 =	sshll.u32 s14, $0xD  }
0x2d: {  	[sflag:s4] =	ssyncadd.s32 $0xFFFFE000;
	s18 =	sor.u32 $0x20, s15  }
0x2e: {  	s14 =	smul.u32 $0x8100, s14;
	v3 =	vld [tilespmem:s18+$0x10]  }
0x2f: {  	s30 =	sand.u32 $0x1, s11;
	v2 =	vld [tilespmem:s18+$0xFFFFFFF0]  }
0x30: {  	s15 =	smul.u32 $0x8100, s30;
	s14 =	sshrl.u32 s14, $0x2;
	v0 =	vld [tilespmem:s18+$0x0]  }
0x31: {  	v1 =	vld [tilespmem:s18+$0xFFFFFFE0];
	s16 =	sor.u32 $0x4000, s14  }
0x32: {  	s31 =	sshrl.u32 s15, $0x2;
	s15 =	sadd.s32 $0x0, s16  }
0x33: {  	s17 =	simm.s32 $0x4;
	s18 =	sadd.s32 $0x40, s18;
	s14 =	sor.u32 $0x4000, s31;
	[tilespmem:s15+$0x1830 ss:$0x81] =	vst.msk $0xffff, v3  }
.LBB1_3:
0x34: {  	v3 =	vld [tilespmem:s18+$0x10];
	p1 =	sne.s32 s17, $0x1FC;
	[tilespmem:s15+$0x810 ss:$0x81] =	vst.msk $0xffff, v2;
	s19 =	smov.u32 s17;
	s17 =	sadd.s32 $0x4, s17  }
.Ltmp3:
0x35: {  	v2 =	vld [tilespmem:s18+$0xFFFFFFF0];
	[tilespmem:s15+$0x1020 ss:$0x81] =	vst.msk $0xffff, v0;
	(pc) =	sbr.rel @p1 .LBB1_3-.Ltmp3, $4  }
0x36: {  	v0 =	vld [tilespmem:s18+$0x0];
	[tilespmem:s15+$0x0 ss:$0x81] =	vst.msk $0xffff, v1  }
0x37: {  	s15 =	sshra.s32 s19, $0x2;
	v1 =	vld [tilespmem:s18+$0xFFFFFFE0]  }
0x38: {  	s15 =	sadd.s32 s15, s16  }
0x39: {  	s18 =	sadd.s32 $0x40, s18;
	[tilespmem:s15+$0x1830 ss:$0x81] =	vst.msk $0xffff, v3  }
.Ltmp4:
0x3a: {  	_ = 	snop;
	(pc) =	sbr.rel .LBB1_4-.Ltmp4, $1  }
0x3b: {  	_ =	sdelay $0x3  }
.LBB1_6:
0x3c: {  	_ =	sfence.sel $0x180000  }
0x3d: {  	s2 =	simm.s32 $0x1;
	[bflag:$0x0] =	sbarrier.arrive $0xFFFF  }
0x3e: {  	s31 =	simm.s32 $0x2;
	[sflag:s2] =	ssyncpa.u1 $0x1  }
0x3f: {  	[sflag:s31] =	ssyncpa.u1 $0x1  }
0x40: {  	p0 =	sne.s32 s0, $0x0;
	_ =	strace $0x9000004A  }
0x41: {  	s0 =	sadd.s32 @!p0 $0x100000, s1;
	[bflag:$0x2] =	sbarrier.arrive $0xFFFF  }
0x42: {  	[sflag:s0] =	ssyncadd.tile.s32 @!p0 $0x1;
	_ =	shalt  }
.Lfunc_end1:
_tile_overlayer_lowered:
.L_overlay_start_2:
0x43: {  	(tag) =	ssettag $0x2  }
0x44: {  	s0 =	rddreg [dreg:$0x0];
	s2 =	stileid.u32  }
0x45: {  	s1 =	rddreg [dreg:$0x1];
	p0 =	sne.s32 s2, $0x0  }
0x46: {  	s3 =	rddreg [dreg:$0x2];
	[bflag:$0x3] =	sbarrier.arrive $0xFFFF;
	s2 =	simm.s32 @!p0 $0x1C01  }
0x47: {  	[timem:s3], [sflag:s2] =	dma.local @!p0 [hbm:s0], s1  }
0x48: {  	s0 =	simm.s32 @!p0 $0x1  }
0x49: {  	_ =	swait.ge @!p0 [sflag:s0], s1  }
0x4a: {  	s1 =	ssub.s32 @!p0 $0x0, s1;
	[sflag:s0] =	ssyncset.done @!p0 $0x0  }
0x4b: {  	[sflag:s0] =	ssyncadd.s32 @!p0 s1  }
0x4c: {  	[bflag:$0x3] =	sbarrier.arrive $0xFFFF  }
0x4d: {  	_ =	shalt  }

</sc_bundles>
